<compile_context>
chip_gen: v7x
topology: tpu7x:2x2x1
jax: 0.10.2.dev20260603
libtpu: 0.0.44.dev20260713+nightly
codegen_flags: <defaults>
</compile_context>

<pallas_src>
import functools

import numpy as np
import jax
import jax.numpy as jnp
from jax import lax
from jax.experimental import pallas as pl
from jax.experimental.pallas import tpu as pltpu
from jax.experimental.pallas import tpu_sc as plsc

_NC = 2
_NS = 16
_NW = _NC * _NS
_GK = 128
_HI = lax.Precision.HIGHEST

_BI = 128
_BJ = 128


@functools.lru_cache(maxsize=None)
def _edge_index_table(n: int):
    src, dst = np.triu_indices(n, k=1)
    e = src.shape[0]
    flat = (src.astype(np.int64) * n + dst).astype(np.int32)
    per = _NW * _GK
    e_pad = ((e + per - 1) // per) * per
    idx = np.zeros((e_pad,), np.int32)
    idx[:e] = flat
    return idx.reshape(_NW, -1, _GK), e, e_pad


def _prep_body(x_ref, c_ref, ct_ref, w1cat_ref, w2cat_ref, bcat_ref,
               a_ref, bt_ref):
    n = x_ref.shape[0]
    xx = x_ref[...]
    cc = c_ref[...]
    ct = ct_ref[...]

    def excl_psum(v):
        s, k = v, 1
        while k < v.shape[0]:
            s = s + jnp.concatenate(
                [jnp.zeros((k, v.shape[1]), jnp.float32), s[:-k]], axis=0)
            k *= 2
        return s - v

    nrm = jnp.sqrt(jnp.sum(xx * xx, axis=1, keepdims=True))
    xn = xx / nrm
    u = xx * xn
    s = excl_psum(u)
    degcol = jnp.maximum(
        lax.broadcasted_iota(jnp.int32, (n, 1), 0).astype(jnp.float32), 1.0)
    agg_a = xn * s / degcol

    ii = lax.broadcasted_iota(jnp.int32, (n, 1), 0)
    jj = lax.broadcasted_iota(jnp.int32, (1, n), 1)
    mask = (ii < jj).astype(jnp.float32)
    colv = ct[:, :, None]
    rowv = ct[:, None, :]
    t3 = jnp.abs(colv - rowv) * (mask[None] * colv)
    red = jnp.sum(t3, axis=1)
    degrow = jnp.maximum(
        lax.broadcasted_iota(jnp.int32, (1, n), 1).astype(jnp.float32), 1.0)
    agg_c = jnp.transpose(red / degrow)

    w2cat = w2cat_ref[...]
    bcat = bcat_ref[...]
    hagg = jnp.concatenate([xx, cc, agg_a, agg_c], axis=1)
    h1 = (lax.dot_general(hagg, w1cat_ref[...], (((1,), (0,)), ((), ())), precision=_HI)
          + bcat[:, 0:64])
    hpre = lax.dot_general(h1, w2cat[64:128], (((1,), (0,)), ((), ())), precision=_HI)
    agg2 = excl_psum(hpre) / degcol
    h2 = (lax.dot_general(h1, w2cat[0:64], (((1,), (0,)), ((), ())), precision=_HI)
          + agg2 + bcat[:, 64:96])

    a_ref[...] = (lax.dot_general(h2, w2cat[128:160], (((1,), (0,)), ((), ())), precision=_HI)
                  + bcat[:, 96:128])
    bt_ref[...] = lax.dot_general(w2cat[160:192], h2, (((0,), (1,)), ((), ())), precision=_HI)


def _prep_call(x, c, ct, w1cat, w2cat, bcat):
    n = x.shape[0]
    return pl.pallas_call(
        _prep_body,
        out_shape=(jax.ShapeDtypeStruct((n, 32), jnp.float32),
                   jax.ShapeDtypeStruct((32, n), jnp.float32)),
    )(x, c, ct, w1cat, w2cat, bcat)


def _pairs_body(a_ref, bt_ref, wd_ref, db_ref, out_ref):
    ib = pl.program_id(0)
    jb = pl.program_id(1)

    @pl.when(jb >= ib)
    def _():
        a = a_ref[...].astype(jnp.bfloat16)
        bt = bt_ref[...].astype(jnp.bfloat16)
        wd16 = wd_ref[...].astype(jnp.bfloat16)
        v = jnp.maximum(a[:, :, None] + bt[None, :, :],
                        jnp.bfloat16(0.0))
        d = jnp.sum((v * wd16[None]).astype(jnp.float32),
                    axis=1) + db_ref[0, 0]
        out_ref[...] = 0.5 + 0.5 * jnp.tanh(0.5 * d)


def _pairs_call(a, bt, wd, db):
    n = a.shape[0]
    return pl.pallas_call(
        _pairs_body,
        grid=(n // _BI, n // _BJ),
        in_specs=[
            pl.BlockSpec((_BI, 32), lambda i, j: (i, 0)),
            pl.BlockSpec((32, _BJ), lambda i, j: (0, jnp.maximum(i, j))),
            pl.BlockSpec((32, 1), lambda i, j: (0, 0)),
            pl.BlockSpec((1, 1), lambda i, j: (0, 0)),
        ],
        out_specs=pl.BlockSpec((_BI, _BJ), lambda i, j: (i, jnp.maximum(i, j))),
        out_shape=jax.ShapeDtypeStruct((n, n), jnp.float32),
    )(a, bt, wd, db)


def _sc_compact_call(pflat, idx, e_pad):
    ep_tile = e_pad // _NW
    chunks = ep_tile // _GK
    out_tile = 2 * ep_tile
    mesh = plsc.VectorSubcoreMesh(core_axis_name="c", subcore_axis_name="s")

    nwaves = 4
    cpw = chunks // nwaves
    wave_elems = cpw * _GK

    @functools.partial(
        pl.kernel, mesh=mesh,
        out_type=jax.ShapeDtypeStruct((2 * e_pad,), jnp.float32),
        scratch_types=[
            pltpu.VMEM((chunks, _GK), jnp.int32),
            pltpu.VMEM((out_tile,), jnp.float32),
        ] + [pltpu.SemaphoreType.DMA] * nwaves,
    )
    def _compact(pflat_hbm, idx_hbm, out_hbm, idx_v, obuf, *sems):
        wid = lax.axis_index("s") * _NC + lax.axis_index("c")
        pltpu.sync_copy(idx_hbm.at[wid], idx_v)

        for w in range(nwaves):
            def fire(k, carry, _s=sems[w]):
                pltpu.async_copy(pflat_hbm.at[idx_v.at[k]],
                                 obuf.at[pl.ds(k * 256, _GK)], _s)
                return carry
            lax.fori_loop(w * cpw, (w + 1) * cpw, fire, 0)

        for w in range(nwaves):
            pltpu.make_async_copy(
                pflat_hbm.at[pl.ds(0, wave_elems)],
                obuf.at[pl.ds(0, wave_elems)], sems[w]).wait()

            def comp(q, carry):
                for u in range(4):
                    qq = q * 4 + u
                    base = 256 * (qq // 8) + 16 * (qq % 8)
                    obuf[pl.ds(base + 128, 16)] = 1.0 - obuf[pl.ds(base, 16)]
                return carry
            lax.fori_loop(w * (wave_elems // 64), (w + 1) * (wave_elems // 64),
                          comp, 0)

        pltpu.sync_copy(obuf, out_hbm.at[pl.ds(wid * out_tile, out_tile)])

    return _compact(pflat, idx)


def kernel(x, centroids, W1_self, W1_neigh, b1, W2_self, W2_neigh, b2,
           W3, b3, W4, b4):
    n = x.shape[0]
    idx_np, e, e_pad = _edge_index_table(n)

    a, bt = _prep_call(
        x, centroids, centroids.T,
        jnp.concatenate([W1_self, W1_neigh], axis=0),
        jnp.concatenate([W2_self, W2_neigh, W3], axis=0),
        jnp.concatenate([b1, b2, b3]).reshape(1, -1))

    wd = (W4[:, 0:1] - W4[:, 1:2])
    db = (b4[0] - b4[1]).reshape(1, 1)
    p0 = _pairs_call(a, bt, wd, db)

    outf = _sc_compact_call(p0.reshape(n * n), jnp.asarray(idx_np), e_pad)
    r3 = outf[:2 * e].reshape(e // _GK, 2, _GK)
    return jnp.swapaxes(r3, 1, 2).reshape(e, 2)

# --- scband reference (transcript-rebuilt; emitter-appended) ---
"""Pipeline reference for scband-edge-net-17583596110112 (READ-ONLY COPY).

The authoritative reference and input builder live on the scoring server;
editing this copy changes nothing except your own understanding.
"""

import jax, jax.numpy as jnp
import numpy as np

N = 1024

def setup_inputs(seed: int = 0) -> dict:
    key = jax.random.key(seed)
    ks = jax.random.split(key, 12)
    def w(k, shape, fan_in):
        return (jax.random.uniform(k, shape, dtype=jnp.float32) * 2.0 - 1.0) / np.sqrt(fan_in)
    return {
        "x": jax.random.normal(ks[0], (N, 32), dtype=jnp.float32),
        "centroids": jax.random.normal(ks[1], (N, 3), dtype=jnp.float32),
        "W1_self": w(ks[2], (35, 64), 35),
        "W1_neigh": w(ks[3], (35, 64), 35),
        "b1": jnp.zeros((64,), dtype=jnp.float32),
        "W2_self": w(ks[4], (64, 32), 64),
        "W2_neigh": w(ks[5], (64, 32), 64),
        "b2": jnp.zeros((32,), dtype=jnp.float32),
        "W3": w(ks[6], (64, 32), 64),
        "b3": jnp.zeros((32,), dtype=jnp.float32),
        "W4": w(ks[7], (32, 2), 32),
        "b4": jnp.zeros((2,), dtype=jnp.float32),
    }

def reference(x, centroids, W1_self, W1_neigh, b1, W2_self, W2_neigh, b2, W3, b3, W4, b4):
    n = x.shape[0]
    src_np, dst_np = np.triu_indices(n, k=1)
    src = jnp.asarray(src_np, dtype=jnp.int32)
    dst = jnp.asarray(dst_np, dtype=jnp.int32)
    # edge features: elementwise cos-style similarity + |centroid diff| (vectorized version of the python loops)
    xs = jnp.take(x, src, axis=0)
    xd = jnp.take(x, dst, axis=0)
    ns = jnp.linalg.norm(xs, axis=1, keepdims=True)
    nd = jnp.linalg.norm(xd, axis=1, keepdims=True)
    cos = xs * xd / (ns * nd)
    cdiff = jnp.abs(jnp.take(centroids, src, axis=0) - jnp.take(centroids, dst, axis=0))
    edge_weight = jnp.concatenate([cos, cdiff], axis=1)  # [E, 35]
    h = jnp.concatenate([x, centroids], axis=1)  # [N, 35]
    # in-degree per dst (DGL clamps to min 1 for mean)
    deg = jax.ops.segment_sum(jnp.ones((src.shape[0],), jnp.float32), dst, num_segments=n)
    deg = jnp.clip(deg, 1.0, None)
    # SAGEConv(35,64,'mean') with vector edge weights: mean of (h[src] * ew), fc_neigh after agg (35<64)
    msg = jnp.take(h, src, axis=0) * edge_weight
    agg1 = jax.ops.segment_sum(msg, dst, num_segments=n) / deg[:, None]
    h1 = h @ W1_self + agg1 @ W1_neigh + b1
    # SAGEConv(64,32,'mean'): fc_neigh before message passing (64>32)
    h_pre = h1 @ W2_neigh
    agg2 = jax.ops.segment_sum(jnp.take(h_pre, src, axis=0), dst, num_segments=n) / deg[:, None]
    h2 = h1 @ W2_self + agg2 + b2
    # per-edge MLP over concatenated endpoint features (same i<j ordering as triu)
    ef = jnp.concatenate([jnp.take(h2, src, axis=0), jnp.take(h2, dst, axis=0)], axis=1)  # [E, 64]
    z = jnp.maximum(ef @ W3 + b3, 0.0)
    z = z @ W4 + b4
    return jax.nn.softmax(z, axis=-1)

if __name__ == "__main__":
    import jax
    _d = setup_inputs()
    print(jax.jit(kernel)(*tuple(_d.values())))

</pallas_src>

<mosaic_0001>
#map = affine_map<(d0, d1) -> (0)>
#map1 = affine_map<(d0, d1) -> (0, 0, 0)>
module attributes {stable_mosaic.version = 14 : i64} {
  func.func @_compact(%arg0: i32, %arg1: i32, %arg2: memref<1048576xf32, #tpu.memory_space<hbm>>, %arg3: memref<32x128x128xi32, #tpu.memory_space<hbm>>, %arg4: memref<1048576xf32, #tpu.memory_space<hbm>>, %arg5: memref<128x128xi32, #tpu.memory_space<vmem>>, %arg6: memref<32768xf32, #tpu.memory_space<vmem>>, %arg7: memref<!tpu.dma_semaphore, #tpu.memory_space<semaphore_mem>>, %arg8: memref<!tpu.dma_semaphore, #tpu.memory_space<semaphore_mem>>, %arg9: memref<!tpu.dma_semaphore, #tpu.memory_space<semaphore_mem>>, %arg10: memref<!tpu.dma_semaphore, #tpu.memory_space<semaphore_mem>>) attributes {dimension_semantics = [#tpu.dimension_semantics<core_parallel>, #tpu.dimension_semantics<subcore_parallel>], iteration_bounds = array<i64: 2, 16>, scalar_prefetch = 0 : i64, scratch_operands = 6 : i64, tpu.core_type = #tpu.core_type<sc_vector_subcore>, window_params = [{transform_indices = #map}, {transform_indices = #map1}, {transform_indices = #map}]} {
    %mul3A = arith.constant 2 : i32
    %mul3A_0 = arith.muli %arg1, %mul3A : i32
    %add3A = arith.addi %mul3A_0, %arg0 : i32
    "tpu.region"() ({
      %run_scoped3A = tpu.sem_alloc : memref<!tpu.dma_semaphore, #tpu.memory_space<semaphore_mem>>
      %dma_start3A = arith.constant 0 : i32
      %dma_start3A_81 = arith.constant 0 : i32
      %dma_start3A_82 = tpu.memref_slice %arg3[%add3A, %dma_start3A, %dma_start3A_81] : memref<32x128x128xi32, #tpu.memory_space<hbm>> -> memref<1x128x128xi32, #tpu.memory_space<hbm>>
      %dma_start3A_83 = tpu.memref_squeeze %dma_start3A_82 : memref<1x128x128xi32, #tpu.memory_space<hbm>> -> memref<128x128xi32, #tpu.memory_space<hbm>>
      %dma_start3A_84 = arith.constant 0 : i32
      %dma_start3A_85 = arith.constant 0 : i32
      %dma_start3A_86 = tpu.memref_slice %arg3[%add3A, %dma_start3A_84, %dma_start3A_85] : memref<32x128x128xi32, #tpu.memory_space<hbm>> -> memref<1x128x128xi32, #tpu.memory_space<hbm>>
      %dma_start3A_87 = tpu.memref_squeeze %dma_start3A_86 : memref<1x128x128xi32, #tpu.memory_space<hbm>> -> memref<128x128xi32, #tpu.memory_space<hbm>>
      tpu.enqueue_dma source(%dma_start3A_87 : memref<128x128xi32, #tpu.memory_space<hbm>>) target(%arg5 : memref<128x128xi32, #tpu.memory_space<vmem>>) target_semaphore(%run_scoped3A : memref<!tpu.dma_semaphore, #tpu.memory_space<semaphore_mem>>)
      %dma_wait3A_88 = arith.constant 0 : i32
      %dma_wait3A_89 = arith.constant 0 : i32
      %dma_wait3A_90 = tpu.memref_slice %arg3[%add3A, %dma_wait3A_88, %dma_wait3A_89] : memref<32x128x128xi32, #tpu.memory_space<hbm>> -> memref<1x128x128xi32, #tpu.memory_space<hbm>>
      %dma_wait3A_91 = tpu.memref_squeeze %dma_wait3A_90 : memref<1x128x128xi32, #tpu.memory_space<hbm>> -> memref<128x128xi32, #tpu.memory_space<hbm>>
      %dma_wait3A_92 = arith.constant 0 : i32
      %dma_wait3A_93 = arith.constant 0 : i32
      %dma_wait3A_94 = tpu.memref_slice %arg3[%add3A, %dma_wait3A_92, %dma_wait3A_93] : memref<32x128x128xi32, #tpu.memory_space<hbm>> -> memref<1x128x128xi32, #tpu.memory_space<hbm>>
      %dma_wait3A_95 = tpu.memref_squeeze %dma_wait3A_94 : memref<1x128x128xi32, #tpu.memory_space<hbm>> -> memref<128x128xi32, #tpu.memory_space<hbm>>
      tpu.wait_dma2 semaphore(%run_scoped3A : memref<!tpu.dma_semaphore, #tpu.memory_space<semaphore_mem>>) src(%dma_wait3A_95 : memref<128x128xi32, #tpu.memory_space<hbm>>) dst(%arg5 : memref<128x128xi32, #tpu.memory_space<vmem>>)
      tpu.yield
    }) : () -> ()
    %scan3A = arith.constant 0 : i32
    %scan3A_1 = arith.constant 0 : i32
    %scan3A_2 = arith.constant 32 : i32
    %scan3A_3 = arith.addi %scan3A_1, %scan3A_2 : i32
    %scan3A_4 = arith.constant 1 : i32
    scf.for %scan3A_81 = %scan3A_1 to %scan3A_3 step %scan3A_4  : i32 {
      %mul3A_82 = arith.constant 256 : i32
      %mul3A_83 = arith.muli %scan3A_81, %mul3A_82 : i32
      %dma_start3A = tpu.memref_slice %arg6[%mul3A_83] : memref<32768xf32, #tpu.memory_space<vmem>> -> memref<128xf32, #tpu.memory_space<vmem>>
      %dma_start3A_84 = arith.constant 0 : i32
      %dma_start3A_85 = tpu.memref_slice %arg5[%scan3A_81, %dma_start3A_84] : memref<128x128xi32, #tpu.memory_space<vmem>> -> memref<1x128xi32, #tpu.memory_space<vmem>>
      %dma_start3A_86 = tpu.memref_squeeze %dma_start3A_85 : memref<1x128xi32, #tpu.memory_space<vmem>> -> memref<128xi32, #tpu.memory_space<vmem>>
      %dma_start3A_87 = arith.constant 0 : i32
      %dma_start3A_88 = tpu.memref_slice %arg2[%dma_start3A_87] : memref<1048576xf32, #tpu.memory_space<hbm>> -> memref<1048576xf32, #tpu.memory_space<hbm>>
      tpu.enqueue_indirect_dma source(%dma_start3A_88 : memref<1048576xf32, #tpu.memory_space<hbm>>) target(%dma_start3A : memref<128xf32, #tpu.memory_space<vmem>>) offsets(%dma_start3A_86 : memref<128xi32, #tpu.memory_space<vmem>>) semaphore(%arg7 : memref<!tpu.dma_semaphore, #tpu.memory_space<semaphore_mem>>)
    }
    %scan3A_5 = arith.constant 32 : i32
    %scan3A_6 = arith.constant 0 : i32
    %scan3A_7 = arith.constant 32 : i32
    %scan3A_8 = arith.constant 32 : i32
    %scan3A_9 = arith.addi %scan3A_7, %scan3A_8 : i32
    %scan3A_10 = arith.constant 1 : i32
    scf.for %scan3A_81 = %scan3A_7 to %scan3A_9 step %scan3A_10  : i32 {
      %mul3A_82 = arith.constant 256 : i32
      %mul3A_83 = arith.muli %scan3A_81, %mul3A_82 : i32
      %dma_start3A = tpu.memref_slice %arg6[%mul3A_83] : memref<32768xf32, #tpu.memory_space<vmem>> -> memref<128xf32, #tpu.memory_space<vmem>>
      %dma_start3A_84 = arith.constant 0 : i32
      %dma_start3A_85 = tpu.memref_slice %arg5[%scan3A_81, %dma_start3A_84] : memref<128x128xi32, #tpu.memory_space<vmem>> -> memref<1x128xi32, #tpu.memory_space<vmem>>
      %dma_start3A_86 = tpu.memref_squeeze %dma_start3A_85 : memref<1x128xi32, #tpu.memory_space<vmem>> -> memref<128xi32, #tpu.memory_space<vmem>>
      %dma_start3A_87 = arith.constant 0 : i32
      %dma_start3A_88 = tpu.memref_slice %arg2[%dma_start3A_87] : memref<1048576xf32, #tpu.memory_space<hbm>> -> memref<1048576xf32, #tpu.memory_space<hbm>>
      tpu.enqueue_indirect_dma source(%dma_start3A_88 : memref<1048576xf32, #tpu.memory_space<hbm>>) target(%dma_start3A : memref<128xf32, #tpu.memory_space<vmem>>) offsets(%dma_start3A_86 : memref<128xi32, #tpu.memory_space<vmem>>) semaphore(%arg8 : memref<!tpu.dma_semaphore, #tpu.memory_space<semaphore_mem>>)
    }
    %scan3A_11 = arith.constant 32 : i32
    %scan3A_12 = arith.constant 0 : i32
    %scan3A_13 = arith.constant 64 : i32
    %scan3A_14 = arith.constant 32 : i32
    %scan3A_15 = arith.addi %scan3A_13, %scan3A_14 : i32
    %scan3A_16 = arith.constant 1 : i32
    scf.for %scan3A_81 = %scan3A_13 to %scan3A_15 step %scan3A_16  : i32 {
      %mul3A_82 = arith.constant 256 : i32
      %mul3A_83 = arith.muli %scan3A_81, %mul3A_82 : i32
      %dma_start3A = tpu.memref_slice %arg6[%mul3A_83] : memref<32768xf32, #tpu.memory_space<vmem>> -> memref<128xf32, #tpu.memory_space<vmem>>
      %dma_start3A_84 = arith.constant 0 : i32
      %dma_start3A_85 = tpu.memref_slice %arg5[%scan3A_81, %dma_start3A_84] : memref<128x128xi32, #tpu.memory_space<vmem>> -> memref<1x128xi32, #tpu.memory_space<vmem>>
      %dma_start3A_86 = tpu.memref_squeeze %dma_start3A_85 : memref<1x128xi32, #tpu.memory_space<vmem>> -> memref<128xi32, #tpu.memory_space<vmem>>
      %dma_start3A_87 = arith.constant 0 : i32
      %dma_start3A_88 = tpu.memref_slice %arg2[%dma_start3A_87] : memref<1048576xf32, #tpu.memory_space<hbm>> -> memref<1048576xf32, #tpu.memory_space<hbm>>
      tpu.enqueue_indirect_dma source(%dma_start3A_88 : memref<1048576xf32, #tpu.memory_space<hbm>>) target(%dma_start3A : memref<128xf32, #tpu.memory_space<vmem>>) offsets(%dma_start3A_86 : memref<128xi32, #tpu.memory_space<vmem>>) semaphore(%arg9 : memref<!tpu.dma_semaphore, #tpu.memory_space<semaphore_mem>>)
    }
    %scan3A_17 = arith.constant 32 : i32
    %scan3A_18 = arith.constant 0 : i32
    %scan3A_19 = arith.constant 96 : i32
    %scan3A_20 = arith.constant 32 : i32
    %scan3A_21 = arith.addi %scan3A_19, %scan3A_20 : i32
    %scan3A_22 = arith.constant 1 : i32
    scf.for %scan3A_81 = %scan3A_19 to %scan3A_21 step %scan3A_22  : i32 {
      %mul3A_82 = arith.constant 256 : i32
      %mul3A_83 = arith.muli %scan3A_81, %mul3A_82 : i32
      %dma_start3A = tpu.memref_slice %arg6[%mul3A_83] : memref<32768xf32, #tpu.memory_space<vmem>> -> memref<128xf32, #tpu.memory_space<vmem>>
      %dma_start3A_84 = arith.constant 0 : i32
      %dma_start3A_85 = tpu.memref_slice %arg5[%scan3A_81, %dma_start3A_84] : memref<128x128xi32, #tpu.memory_space<vmem>> -> memref<1x128xi32, #tpu.memory_space<vmem>>
      %dma_start3A_86 = tpu.memref_squeeze %dma_start3A_85 : memref<1x128xi32, #tpu.memory_space<vmem>> -> memref<128xi32, #tpu.memory_space<vmem>>
      %dma_start3A_87 = arith.constant 0 : i32
      %dma_start3A_88 = tpu.memref_slice %arg2[%dma_start3A_87] : memref<1048576xf32, #tpu.memory_space<hbm>> -> memref<1048576xf32, #tpu.memory_space<hbm>>
      tpu.enqueue_indirect_dma source(%dma_start3A_88 : memref<1048576xf32, #tpu.memory_space<hbm>>) target(%dma_start3A : memref<128xf32, #tpu.memory_space<vmem>>) offsets(%dma_start3A_86 : memref<128xi32, #tpu.memory_space<vmem>>) semaphore(%arg10 : memref<!tpu.dma_semaphore, #tpu.memory_space<semaphore_mem>>)
    }
    %scan3A_23 = arith.constant 32 : i32
    %dma_wait3A = arith.constant 0 : i32
    %dma_wait3A_24 = tpu.memref_slice %arg6[%dma_wait3A] : memref<32768xf32, #tpu.memory_space<vmem>> -> memref<4096xf32, #tpu.memory_space<vmem>>
    %dma_wait3A_25 = arith.constant 0 : i32
    %dma_wait3A_26 = tpu.memref_slice %arg2[%dma_wait3A_25] : memref<1048576xf32, #tpu.memory_space<hbm>> -> memref<4096xf32, #tpu.memory_space<hbm>>
    %dma_wait3A_27 = arith.constant 0 : i32
    %dma_wait3A_28 = tpu.memref_slice %arg6[%dma_wait3A_27] : memref<32768xf32, #tpu.memory_space<vmem>> -> memref<4096xf32, #tpu.memory_space<vmem>>
    %dma_wait3A_29 = arith.constant 0 : i32
    %dma_wait3A_30 = tpu.memref_slice %arg2[%dma_wait3A_29] : memref<1048576xf32, #tpu.memory_space<hbm>> -> memref<4096xf32, #tpu.memory_space<hbm>>
    tpu.wait_dma2 semaphore(%arg7 : memref<!tpu.dma_semaphore, #tpu.memory_space<semaphore_mem>>) src(%dma_wait3A_30 : memref<4096xf32, #tpu.memory_space<hbm>>) dst(%dma_wait3A_28 : memref<4096xf32, #tpu.memory_space<vmem>>)
    %scan3A_31 = arith.constant 0 : i32
    %scan3A_32 = arith.constant 0 : i32
    %scan3A_33 = arith.constant 64 : i32
    %scan3A_34 = arith.addi %scan3A_32, %scan3A_33 : i32
    %scan3A_35 = arith.constant 1 : i32
    scf.for %scan3A_81 = %scan3A_32 to %scan3A_34 step %scan3A_35  : i32 {
      %mul3A_82 = arith.constant 4 : i32
      %mul3A_83 = arith.muli %scan3A_81, %mul3A_82 : i32
      %add3A_84 = arith.constant 0 : i32
      %add3A_85 = arith.addi %mul3A_83, %add3A_84 : i32
      %jit3A = arith.constant 8 : i32
      %div3A = arith.divsi %add3A_85, %jit3A : i32
      %sign3A = arith.constant 0 : i32
      %sign3A_86 = arith.cmpi sgt, %add3A_85, %sign3A : i32
      %sign3A_87 = arith.extui %sign3A_86 : i1 to i32
      %sign3A_88 = arith.constant 0 : i32
      %sign3A_89 = arith.cmpi slt, %add3A_85, %sign3A_88 : i32
      %sign3A_90 = arith.extui %sign3A_89 : i1 to i32
      %sign3A_91 = arith.subi %sign3A_87, %sign3A_90 : i32
      %sign3A_92 = arith.constant 0 : i32
      %sign3A_93 = arith.cmpi sgt, %jit3A, %sign3A_92 : i32
      %sign3A_94 = arith.extui %sign3A_93 : i1 to i32
      %sign3A_95 = arith.constant 0 : i32
      %sign3A_96 = arith.cmpi slt, %jit3A, %sign3A_95 : i32
      %sign3A_97 = arith.extui %sign3A_96 : i1 to i32
      %sign3A_98 = arith.subi %sign3A_94, %sign3A_97 : i32
      %ne3A = arith.cmpi ne, %sign3A_91, %sign3A_98 : i32
      %rem3A = arith.remsi %add3A_85, %jit3A : i32
      %ne3A_99 = arith.constant 0 : i32
      %ne3A_100 = arith.cmpi ne, %rem3A, %ne3A_99 : i32
      %and3A = arith.andi %ne3A, %ne3A_100 : i1
      %sub3A = arith.constant 1 : i32
      %sub3A_101 = arith.subi %div3A, %sub3A : i32
      %select_n3A = arith.select %and3A, %sub3A_101, %div3A : i32
      %mul3A_102 = arith.constant 256 : i32
      %mul3A_103 = arith.muli %mul3A_102, %select_n3A : i32
      %jit3A_104 = arith.constant 8 : i32
      %eq3A = arith.constant 0 : i32
      %eq3A_105 = arith.cmpi eq, %jit3A_104, %eq3A : i32
      %jit3A_106 = arith.constant 1 : i32
      %select_n3A_107 = arith.select %eq3A_105, %jit3A_106, %jit3A_104 : i32
      %rem3A_108 = arith.remsi %add3A_85, %select_n3A_107 : i32
      %ne3A_109 = arith.constant 0 : i32
      %ne3A_110 = arith.cmpi ne, %rem3A_108, %ne3A_109 : i32
      %lt3A = arith.constant 0 : i32
      %lt3A_111 = arith.cmpi slt, %rem3A_108, %lt3A : i32
      %lt3A_112 = arith.constant 0 : i32
      %lt3A_113 = arith.cmpi slt, %select_n3A_107, %lt3A_112 : i32
      %ne3A_114 = arith.xori %lt3A_111, %lt3A_113 : i1
      %and3A_115 = arith.andi %ne3A_114, %ne3A_110 : i1
      %add3A_116 = arith.addi %rem3A_108, %select_n3A_107 : i32
      %select_n3A_117 = arith.select %and3A_115, %add3A_116, %rem3A_108 : i32
      %mul3A_118 = arith.constant 16 : i32
      %mul3A_119 = arith.muli %mul3A_118, %select_n3A_117 : i32
      %add3A_120 = arith.addi %mul3A_103, %mul3A_119 : i32
      %get3A = arith.index_cast %add3A_120 : i32 to index
      %get3A_121 = tpu.vector_load %arg6[%get3A] {strides = array<i32>} : memref<32768xf32, #tpu.memory_space<vmem>>, vector<16xf32>,
      %get3A_122 = vector.shape_cast %get3A_121 : vector<16xf32> to vector<16xf32>
      %sub3A_123 = arith.constant 1.000000e+00 : f32
      %sub3A_124 = vector.broadcast %sub3A_123 : f32 to vector<16xf32>
      %sub3A_125 = arith.subf %sub3A_124, %get3A_122 : vector<16xf32>
      %add3A_126 = arith.constant 128 : i32
      %add3A_127 = arith.addi %add3A_120, %add3A_126 : i32
      %swap3A = arith.index_cast %add3A_127 : i32 to index
      %swap3A_128 = tpu.vector_load %arg6[%swap3A] {strides = array<i32>} : memref<32768xf32, #tpu.memory_space<vmem>>, vector<16xf32>,
      %swap3A_129 = vector.shape_cast %swap3A_128 : vector<16xf32> to vector<16xf32>
      %swap3A_130 = vector.shape_cast %sub3A_125 : vector<16xf32> to vector<16xf32>
      tpu.vector_store %arg6[%swap3A], %swap3A_130 {strides = array<i32>} : memref<32768xf32, #tpu.memory_space<vmem>>, vector<16xf32>,
      %mul3A_131 = arith.constant 4 : i32
      %mul3A_132 = arith.muli %scan3A_81, %mul3A_131 : i32
      %add3A_133 = arith.constant 1 : i32
      %add3A_134 = arith.addi %mul3A_132, %add3A_133 : i32
      %jit3A_135 = arith.constant 8 : i32
      %div3A_136 = arith.divsi %add3A_134, %jit3A_135 : i32
      %sign3A_137 = arith.constant 0 : i32
      %sign3A_138 = arith.cmpi sgt, %add3A_134, %sign3A_137 : i32
      %sign3A_139 = arith.extui %sign3A_138 : i1 to i32
      %sign3A_140 = arith.constant 0 : i32
      %sign3A_141 = arith.cmpi slt, %add3A_134, %sign3A_140 : i32
      %sign3A_142 = arith.extui %sign3A_141 : i1 to i32
      %sign3A_143 = arith.subi %sign3A_139, %sign3A_142 : i32
      %sign3A_144 = arith.constant 0 : i32
      %sign3A_145 = arith.cmpi sgt, %jit3A_135, %sign3A_144 : i32
      %sign3A_146 = arith.extui %sign3A_145 : i1 to i32
      %sign3A_147 = arith.constant 0 : i32
      %sign3A_148 = arith.cmpi slt, %jit3A_135, %sign3A_147 : i32
      %sign3A_149 = arith.extui %sign3A_148 : i1 to i32
      %sign3A_150 = arith.subi %sign3A_146, %sign3A_149 : i32
      %ne3A_151 = arith.cmpi ne, %sign3A_143, %sign3A_150 : i32
      %rem3A_152 = arith.remsi %add3A_134, %jit3A_135 : i32
      %ne3A_153 = arith.constant 0 : i32
      %ne3A_154 = arith.cmpi ne, %rem3A_152, %ne3A_153 : i32
      %and3A_155 = arith.andi %ne3A_151, %ne3A_154 : i1
      %sub3A_156 = arith.constant 1 : i32
      %sub3A_157 = arith.subi %div3A_136, %sub3A_156 : i32
      %select_n3A_158 = arith.select %and3A_155, %sub3A_157, %div3A_136 : i32
      %mul3A_159 = arith.constant 256 : i32
      %mul3A_160 = arith.muli %mul3A_159, %select_n3A_158 : i32
      %jit3A_161 = arith.constant 8 : i32
      %eq3A_162 = arith.constant 0 : i32
      %eq3A_163 = arith.cmpi eq, %jit3A_161, %eq3A_162 : i32
      %jit3A_164 = arith.constant 1 : i32
      %select_n3A_165 = arith.select %eq3A_163, %jit3A_164, %jit3A_161 : i32
      %rem3A_166 = arith.remsi %add3A_134, %select_n3A_165 : i32
      %ne3A_167 = arith.constant 0 : i32
      %ne3A_168 = arith.cmpi ne, %rem3A_166, %ne3A_167 : i32
      %lt3A_169 = arith.constant 0 : i32
      %lt3A_170 = arith.cmpi slt, %rem3A_166, %lt3A_169 : i32
      %lt3A_171 = arith.constant 0 : i32
      %lt3A_172 = arith.cmpi slt, %select_n3A_165, %lt3A_171 : i32
      %ne3A_173 = arith.xori %lt3A_170, %lt3A_172 : i1
      %and3A_174 = arith.andi %ne3A_173, %ne3A_168 : i1
      %add3A_175 = arith.addi %rem3A_166, %select_n3A_165 : i32
      %select_n3A_176 = arith.select %and3A_174, %add3A_175, %rem3A_166 : i32
      %mul3A_177 = arith.constant 16 : i32
      %mul3A_178 = arith.muli %mul3A_177, %select_n3A_176 : i32
      %add3A_179 = arith.addi %mul3A_160, %mul3A_178 : i32
      %get3A_180 = arith.index_cast %add3A_179 : i32 to index
      %get3A_181 = tpu.vector_load %arg6[%get3A_180] {strides = array<i32>} : memref<32768xf32, #tpu.memory_space<vmem>>, vector<16xf32>,
      %get3A_182 = vector.shape_cast %get3A_181 : vector<16xf32> to vector<16xf32>
      %sub3A_183 = arith.constant 1.000000e+00 : f32
      %sub3A_184 = vector.broadcast %sub3A_183 : f32 to vector<16xf32>
      %sub3A_185 = arith.subf %sub3A_184, %get3A_182 : vector<16xf32>
      %add3A_186 = arith.constant 128 : i32
      %add3A_187 = arith.addi %add3A_179, %add3A_186 : i32
      %swap3A_188 = arith.index_cast %add3A_187 : i32 to index
      %swap3A_189 = tpu.vector_load %arg6[%swap3A_188] {strides = array<i32>} : memref<32768xf32, #tpu.memory_space<vmem>>, vector<16xf32>,
      %swap3A_190 = vector.shape_cast %swap3A_189 : vector<16xf32> to vector<16xf32>
      %swap3A_191 = vector.shape_cast %sub3A_185 : vector<16xf32> to vector<16xf32>
      tpu.vector_store %arg6[%swap3A_188], %swap3A_191 {strides = array<i32>} : memref<32768xf32, #tpu.memory_space<vmem>>, vector<16xf32>,
      %mul3A_192 = arith.constant 4 : i32
      %mul3A_193 = arith.muli %scan3A_81, %mul3A_192 : i32
      %add3A_194 = arith.constant 2 : i32
      %add3A_195 = arith.addi %mul3A_193, %add3A_194 : i32
      %jit3A_196 = arith.constant 8 : i32
      %div3A_197 = arith.divsi %add3A_195, %jit3A_196 : i32
      %sign3A_198 = arith.constant 0 : i32
      %sign3A_199 = arith.cmpi sgt, %add3A_195, %sign3A_198 : i32
      %sign3A_200 = arith.extui %sign3A_199 : i1 to i32
      %sign3A_201 = arith.constant 0 : i32
      %sign3A_202 = arith.cmpi slt, %add3A_195, %sign3A_201 : i32
      %sign3A_203 = arith.extui %sign3A_202 : i1 to i32
      %sign3A_204 = arith.subi %sign3A_200, %sign3A_203 : i32
      %sign3A_205 = arith.constant 0 : i32
      %sign3A_206 = arith.cmpi sgt, %jit3A_196, %sign3A_205 : i32
      %sign3A_207 = arith.extui %sign3A_206 : i1 to i32
      %sign3A_208 = arith.constant 0 : i32
      %sign3A_209 = arith.cmpi slt, %jit3A_196, %sign3A_208 : i32
      %sign3A_210 = arith.extui %sign3A_209 : i1 to i32
      %sign3A_211 = arith.subi %sign3A_207, %sign3A_210 : i32
      %ne3A_212 = arith.cmpi ne, %sign3A_204, %sign3A_211 : i32
      %rem3A_213 = arith.remsi %add3A_195, %jit3A_196 : i32
      %ne3A_214 = arith.constant 0 : i32
      %ne3A_215 = arith.cmpi ne, %rem3A_213, %ne3A_214 : i32
      %and3A_216 = arith.andi %ne3A_212, %ne3A_215 : i1
      %sub3A_217 = arith.constant 1 : i32
      %sub3A_218 = arith.subi %div3A_197, %sub3A_217 : i32
      %select_n3A_219 = arith.select %and3A_216, %sub3A_218, %div3A_197 : i32
      %mul3A_220 = arith.constant 256 : i32
      %mul3A_221 = arith.muli %mul3A_220, %select_n3A_219 : i32
      %jit3A_222 = arith.constant 8 : i32
      %eq3A_223 = arith.constant 0 : i32
      %eq3A_224 = arith.cmpi eq, %jit3A_222, %eq3A_223 : i32
      %jit3A_225 = arith.constant 1 : i32
      %select_n3A_226 = arith.select %eq3A_224, %jit3A_225, %jit3A_222 : i32
      %rem3A_227 = arith.remsi %add3A_195, %select_n3A_226 : i32
      %ne3A_228 = arith.constant 0 : i32
      %ne3A_229 = arith.cmpi ne, %rem3A_227, %ne3A_228 : i32
      %lt3A_230 = arith.constant 0 : i32
      %lt3A_231 = arith.cmpi slt, %rem3A_227, %lt3A_230 : i32
      %lt3A_232 = arith.constant 0 : i32
      %lt3A_233 = arith.cmpi slt, %select_n3A_226, %lt3A_232 : i32
      %ne3A_234 = arith.xori %lt3A_231, %lt3A_233 : i1
      %and3A_235 = arith.andi %ne3A_234, %ne3A_229 : i1
      %add3A_236 = arith.addi %rem3A_227, %select_n3A_226 : i32
      %select_n3A_237 = arith.select %and3A_235, %add3A_236, %rem3A_227 : i32
      %mul3A_238 = arith.constant 16 : i32
      %mul3A_239 = arith.muli %mul3A_238, %select_n3A_237 : i32
      %add3A_240 = arith.addi %mul3A_221, %mul3A_239 : i32
      %get3A_241 = arith.index_cast %add3A_240 : i32 to index
      %get3A_242 = tpu.vector_load %arg6[%get3A_241] {strides = array<i32>} : memref<32768xf32, #tpu.memory_space<vmem>>, vector<16xf32>,
      %get3A_243 = vector.shape_cast %get3A_242 : vector<16xf32> to vector<16xf32>
      %sub3A_244 = arith.constant 1.000000e+00 : f32
      %sub3A_245 = vector.broadcast %sub3A_244 : f32 to vector<16xf32>
      %sub3A_246 = arith.subf %sub3A_245, %get3A_243 : vector<16xf32>
      %add3A_247 = arith.constant 128 : i32
      %add3A_248 = arith.addi %add3A_240, %add3A_247 : i32
      %swap3A_249 = arith.index_cast %add3A_248 : i32 to index
      %swap3A_250 = tpu.vector_load %arg6[%swap3A_249] {strides = array<i32>} : memref<32768xf32, #tpu.memory_space<vmem>>, vector<16xf32>,
      %swap3A_251 = vector.shape_cast %swap3A_250 : vector<16xf32> to vector<16xf32>
      %swap3A_252 = vector.shape_cast %sub3A_246 : vector<16xf32> to vector<16xf32>
      tpu.vector_store %arg6[%swap3A_249], %swap3A_252 {strides = array<i32>} : memref<32768xf32, #tpu.memory_space<vmem>>, vector<16xf32>,
      %mul3A_253 = arith.constant 4 : i32
      %mul3A_254 = arith.muli %scan3A_81, %mul3A_253 : i32
      %add3A_255 = arith.constant 3 : i32
      %add3A_256 = arith.addi %mul3A_254, %add3A_255 : i32
      %jit3A_257 = arith.constant 8 : i32
      %div3A_258 = arith.divsi %add3A_256, %jit3A_257 : i32
      %sign3A_259 = arith.constant 0 : i32
      %sign3A_260 = arith.cmpi sgt, %add3A_256, %sign3A_259 : i32
      %sign3A_261 = arith.extui %sign3A_260 : i1 to i32
      %sign3A_262 = arith.constant 0 : i32
      %sign3A_263 = arith.cmpi slt, %add3A_256, %sign3A_262 : i32
      %sign3A_264 = arith.extui %sign3A_263 : i1 to i32
      %sign3A_265 = arith.subi %sign3A_261, %sign3A_264 : i32
      %sign3A_266 = arith.constant 0 : i32
      %sign3A_267 = arith.cmpi sgt, %jit3A_257, %sign3A_266 : i32
      %sign3A_268 = arith.extui %sign3A_267 : i1 to i32
      %sign3A_269 = arith.constant 0 : i32
      %sign3A_270 = arith.cmpi slt, %jit3A_257, %sign3A_269 : i32
      %sign3A_271 = arith.extui %sign3A_270 : i1 to i32
      %sign3A_272 = arith.subi %sign3A_268, %sign3A_271 : i32
      %ne3A_273 = arith.cmpi ne, %sign3A_265, %sign3A_272 : i32
      %rem3A_274 = arith.remsi %add3A_256, %jit3A_257 : i32
      %ne3A_275 = arith.constant 0 : i32
      %ne3A_276 = arith.cmpi ne, %rem3A_274, %ne3A_275 : i32
      %and3A_277 = arith.andi %ne3A_273, %ne3A_276 : i1
      %sub3A_278 = arith.constant 1 : i32
      %sub3A_279 = arith.subi %div3A_258, %sub3A_278 : i32
      %select_n3A_280 = arith.select %and3A_277, %sub3A_279, %div3A_258 : i32
      %mul3A_281 = arith.constant 256 : i32
      %mul3A_282 = arith.muli %mul3A_281, %select_n3A_280 : i32
      %jit3A_283 = arith.constant 8 : i32
      %eq3A_284 = arith.constant 0 : i32
      %eq3A_285 = arith.cmpi eq, %jit3A_283, %eq3A_284 : i32
      %jit3A_286 = arith.constant 1 : i32
      %select_n3A_287 = arith.select %eq3A_285, %jit3A_286, %jit3A_283 : i32
      %rem3A_288 = arith.remsi %add3A_256, %select_n3A_287 : i32
      %ne3A_289 = arith.constant 0 : i32
      %ne3A_290 = arith.cmpi ne, %rem3A_288, %ne3A_289 : i32
      %lt3A_291 = arith.constant 0 : i32
      %lt3A_292 = arith.cmpi slt, %rem3A_288, %lt3A_291 : i32
      %lt3A_293 = arith.constant 0 : i32
      %lt3A_294 = arith.cmpi slt, %select_n3A_287, %lt3A_293 : i32
      %ne3A_295 = arith.xori %lt3A_292, %lt3A_294 : i1
      %and3A_296 = arith.andi %ne3A_295, %ne3A_290 : i1
      %add3A_297 = arith.addi %rem3A_288, %select_n3A_287 : i32
      %select_n3A_298 = arith.select %and3A_296, %add3A_297, %rem3A_288 : i32
      %mul3A_299 = arith.constant 16 : i32
      %mul3A_300 = arith.muli %mul3A_299, %select_n3A_298 : i32
      %add3A_301 = arith.addi %mul3A_282, %mul3A_300 : i32
      %get3A_302 = arith.index_cast %add3A_301 : i32 to index
      %get3A_303 = tpu.vector_load %arg6[%get3A_302] {strides = array<i32>} : memref<32768xf32, #tpu.memory_space<vmem>>, vector<16xf32>,
      %get3A_304 = vector.shape_cast %get3A_303 : vector<16xf32> to vector<16xf32>
      %sub3A_305 = arith.constant 1.000000e+00 : f32
      %sub3A_306 = vector.broadcast %sub3A_305 : f32 to vector<16xf32>
      %sub3A_307 = arith.subf %sub3A_306, %get3A_304 : vector<16xf32>
      %add3A_308 = arith.constant 128 : i32
      %add3A_309 = arith.addi %add3A_301, %add3A_308 : i32
      %swap3A_310 = arith.index_cast %add3A_309 : i32 to index
      %swap3A_311 = tpu.vector_load %arg6[%swap3A_310] {strides = array<i32>} : memref<32768xf32, #tpu.memory_space<vmem>>, vector<16xf32>,
      %swap3A_312 = vector.shape_cast %swap3A_311 : vector<16xf32> to vector<16xf32>
      %swap3A_313 = vector.shape_cast %sub3A_307 : vector<16xf32> to vector<16xf32>
      tpu.vector_store %arg6[%swap3A_310], %swap3A_313 {strides = array<i32>} : memref<32768xf32, #tpu.memory_space<vmem>>, vector<16xf32>,
    }
    %scan3A_36 = arith.constant 64 : i32
    %dma_wait3A_37 = arith.constant 0 : i32
    %dma_wait3A_38 = tpu.memref_slice %arg6[%dma_wait3A_37] : memref<32768xf32, #tpu.memory_space<vmem>> -> memref<4096xf32, #tpu.memory_space<vmem>>
    %dma_wait3A_39 = arith.constant 0 : i32
    %dma_wait3A_40 = tpu.memref_slice %arg2[%dma_wait3A_39] : memref<1048576xf32, #tpu.memory_space<hbm>> -> memref<4096xf32, #tpu.memory_space<hbm>>
    %dma_wait3A_41 = arith.constant 0 : i32
    %dma_wait3A_42 = tpu.memref_slice %arg6[%dma_wait3A_41] : memref<32768xf32, #tpu.memory_space<vmem>> -> memref<4096xf32, #tpu.memory_space<vmem>>
    %dma_wait3A_43 = arith.constant 0 : i32
    %dma_wait3A_44 = tpu.memref_slice %arg2[%dma_wait3A_43] : memref<1048576xf32, #tpu.memory_space<hbm>> -> memref<4096xf32, #tpu.memory_space<hbm>>
    tpu.wait_dma2 semaphore(%arg8 : memref<!tpu.dma_semaphore, #tpu.memory_space<semaphore_mem>>) src(%dma_wait3A_44 : memref<4096xf32, #tpu.memory_space<hbm>>) dst(%dma_wait3A_42 : memref<4096xf32, #tpu.memory_space<vmem>>)
    %scan3A_45 = arith.constant 0 : i32
    %scan3A_46 = arith.constant 64 : i32
    %scan3A_47 = arith.constant 64 : i32
    %scan3A_48 = arith.addi %scan3A_46, %scan3A_47 : i32
    %scan3A_49 = arith.constant 1 : i32
    scf.for %scan3A_81 = %scan3A_46 to %scan3A_48 step %scan3A_49  : i32 {
      %mul3A_82 = arith.constant 4 : i32
      %mul3A_83 = arith.muli %scan3A_81, %mul3A_82 : i32
      %add3A_84 = arith.constant 0 : i32
      %add3A_85 = arith.addi %mul3A_83, %add3A_84 : i32
      %jit3A = arith.constant 8 : i32
      %div3A = arith.divsi %add3A_85, %jit3A : i32
      %sign3A = arith.constant 0 : i32
      %sign3A_86 = arith.cmpi sgt, %add3A_85, %sign3A : i32
      %sign3A_87 = arith.extui %sign3A_86 : i1 to i32
      %sign3A_88 = arith.constant 0 : i32
      %sign3A_89 = arith.cmpi slt, %add3A_85, %sign3A_88 : i32
      %sign3A_90 = arith.extui %sign3A_89 : i1 to i32
      %sign3A_91 = arith.subi %sign3A_87, %sign3A_90 : i32
      %sign3A_92 = arith.constant 0 : i32
      %sign3A_93 = arith.cmpi sgt, %jit3A, %sign3A_92 : i32
      %sign3A_94 = arith.extui %sign3A_93 : i1 to i32
      %sign3A_95 = arith.constant 0 : i32
      %sign3A_96 = arith.cmpi slt, %jit3A, %sign3A_95 : i32
      %sign3A_97 = arith.extui %sign3A_96 : i1 to i32
      %sign3A_98 = arith.subi %sign3A_94, %sign3A_97 : i32
      %ne3A = arith.cmpi ne, %sign3A_91, %sign3A_98 : i32
      %rem3A = arith.remsi %add3A_85, %jit3A : i32
      %ne3A_99 = arith.constant 0 : i32
      %ne3A_100 = arith.cmpi ne, %rem3A, %ne3A_99 : i32
      %and3A = arith.andi %ne3A, %ne3A_100 : i1
      %sub3A = arith.constant 1 : i32
      %sub3A_101 = arith.subi %div3A, %sub3A : i32
      %select_n3A = arith.select %and3A, %sub3A_101, %div3A : i32
      %mul3A_102 = arith.constant 256 : i32
      %mul3A_103 = arith.muli %mul3A_102, %select_n3A : i32
      %jit3A_104 = arith.constant 8 : i32
      %eq3A = arith.constant 0 : i32
      %eq3A_105 = arith.cmpi eq, %jit3A_104, %eq3A : i32
      %jit3A_106 = arith.constant 1 : i32
      %select_n3A_107 = arith.select %eq3A_105, %jit3A_106, %jit3A_104 : i32
      %rem3A_108 = arith.remsi %add3A_85, %select_n3A_107 : i32
      %ne3A_109 = arith.constant 0 : i32
      %ne3A_110 = arith.cmpi ne, %rem3A_108, %ne3A_109 : i32
      %lt3A = arith.constant 0 : i32
      %lt3A_111 = arith.cmpi slt, %rem3A_108, %lt3A : i32
      %lt3A_112 = arith.constant 0 : i32
      %lt3A_113 = arith.cmpi slt, %select_n3A_107, %lt3A_112 : i32
      %ne3A_114 = arith.xori %lt3A_111, %lt3A_113 : i1
      %and3A_115 = arith.andi %ne3A_114, %ne3A_110 : i1
      %add3A_116 = arith.addi %rem3A_108, %select_n3A_107 : i32
      %select_n3A_117 = arith.select %and3A_115, %add3A_116, %rem3A_108 : i32
      %mul3A_118 = arith.constant 16 : i32
      %mul3A_119 = arith.muli %mul3A_118, %select_n3A_117 : i32
      %add3A_120 = arith.addi %mul3A_103, %mul3A_119 : i32
      %get3A = arith.index_cast %add3A_120 : i32 to index
      %get3A_121 = tpu.vector_load %arg6[%get3A] {strides = array<i32>} : memref<32768xf32, #tpu.memory_space<vmem>>, vector<16xf32>,
      %get3A_122 = vector.shape_cast %get3A_121 : vector<16xf32> to vector<16xf32>
      %sub3A_123 = arith.constant 1.000000e+00 : f32
      %sub3A_124 = vector.broadcast %sub3A_123 : f32 to vector<16xf32>
      %sub3A_125 = arith.subf %sub3A_124, %get3A_122 : vector<16xf32>
      %add3A_126 = arith.constant 128 : i32
      %add3A_127 = arith.addi %add3A_120, %add3A_126 : i32
      %swap3A = arith.index_cast %add3A_127 : i32 to index
      %swap3A_128 = tpu.vector_load %arg6[%swap3A] {strides = array<i32>} : memref<32768xf32, #tpu.memory_space<vmem>>, vector<16xf32>,
      %swap3A_129 = vector.shape_cast %swap3A_128 : vector<16xf32> to vector<16xf32>
      %swap3A_130 = vector.shape_cast %sub3A_125 : vector<16xf32> to vector<16xf32>
      tpu.vector_store %arg6[%swap3A], %swap3A_130 {strides = array<i32>} : memref<32768xf32, #tpu.memory_space<vmem>>, vector<16xf32>,
      %mul3A_131 = arith.constant 4 : i32
      %mul3A_132 = arith.muli %scan3A_81, %mul3A_131 : i32
      %add3A_133 = arith.constant 1 : i32
      %add3A_134 = arith.addi %mul3A_132, %add3A_133 : i32
      %jit3A_135 = arith.constant 8 : i32
      %div3A_136 = arith.divsi %add3A_134, %jit3A_135 : i32
      %sign3A_137 = arith.constant 0 : i32
      %sign3A_138 = arith.cmpi sgt, %add3A_134, %sign3A_137 : i32
      %sign3A_139 = arith.extui %sign3A_138 : i1 to i32
      %sign3A_140 = arith.constant 0 : i32
      %sign3A_141 = arith.cmpi slt, %add3A_134, %sign3A_140 : i32
      %sign3A_142 = arith.extui %sign3A_141 : i1 to i32
      %sign3A_143 = arith.subi %sign3A_139, %sign3A_142 : i32
      %sign3A_144 = arith.constant 0 : i32
      %sign3A_145 = arith.cmpi sgt, %jit3A_135, %sign3A_144 : i32
      %sign3A_146 = arith.extui %sign3A_145 : i1 to i32
      %sign3A_147 = arith.constant 0 : i32
      %sign3A_148 = arith.cmpi slt, %jit3A_135, %sign3A_147 : i32
      %sign3A_149 = arith.extui %sign3A_148 : i1 to i32
      %sign3A_150 = arith.subi %sign3A_146, %sign3A_149 : i32
      %ne3A_151 = arith.cmpi ne, %sign3A_143, %sign3A_150 : i32
      %rem3A_152 = arith.remsi %add3A_134, %jit3A_135 : i32
      %ne3A_153 = arith.constant 0 : i32
      %ne3A_154 = arith.cmpi ne, %rem3A_152, %ne3A_153 : i32
      %and3A_155 = arith.andi %ne3A_151, %ne3A_154 : i1
      %sub3A_156 = arith.constant 1 : i32
      %sub3A_157 = arith.subi %div3A_136, %sub3A_156 : i32
      %select_n3A_158 = arith.select %and3A_155, %sub3A_157, %div3A_136 : i32
      %mul3A_159 = arith.constant 256 : i32
      %mul3A_160 = arith.muli %mul3A_159, %select_n3A_158 : i32
      %jit3A_161 = arith.constant 8 : i32
      %eq3A_162 = arith.constant 0 : i32
      %eq3A_163 = arith.cmpi eq, %jit3A_161, %eq3A_162 : i32
      %jit3A_164 = arith.constant 1 : i32
      %select_n3A_165 = arith.select %eq3A_163, %jit3A_164, %jit3A_161 : i32
      %rem3A_166 = arith.remsi %add3A_134, %select_n3A_165 : i32
      %ne3A_167 = arith.constant 0 : i32
      %ne3A_168 = arith.cmpi ne, %rem3A_166, %ne3A_167 : i32
      %lt3A_169 = arith.constant 0 : i32
      %lt3A_170 = arith.cmpi slt, %rem3A_166, %lt3A_169 : i32
      %lt3A_171 = arith.constant 0 : i32
      %lt3A_172 = arith.cmpi slt, %select_n3A_165, %lt3A_171 : i32
      %ne3A_173 = arith.xori %lt3A_170, %lt3A_172 : i1
      %and3A_174 = arith.andi %ne3A_173, %ne3A_168 : i1
      %add3A_175 = arith.addi %rem3A_166, %select_n3A_165 : i32
      %select_n3A_176 = arith.select %and3A_174, %add3A_175, %rem3A_166 : i32
      %mul3A_177 = arith.constant 16 : i32
      %mul3A_178 = arith.muli %mul3A_177, %select_n3A_176 : i32
      %add3A_179 = arith.addi %mul3A_160, %mul3A_178 : i32
      %get3A_180 = arith.index_cast %add3A_179 : i32 to index
      %get3A_181 = tpu.vector_load %arg6[%get3A_180] {strides = array<i32>} : memref<32768xf32, #tpu.memory_space<vmem>>, vector<16xf32>,
      %get3A_182 = vector.shape_cast %get3A_181 : vector<16xf32> to vector<16xf32>
      %sub3A_183 = arith.constant 1.000000e+00 : f32
      %sub3A_184 = vector.broadcast %sub3A_183 : f32 to vector<16xf32>
      %sub3A_185 = arith.subf %sub3A_184, %get3A_182 : vector<16xf32>
      %add3A_186 = arith.constant 128 : i32
      %add3A_187 = arith.addi %add3A_179, %add3A_186 : i32
      %swap3A_188 = arith.index_cast %add3A_187 : i32 to index
      %swap3A_189 = tpu.vector_load %arg6[%swap3A_188] {strides = array<i32>} : memref<32768xf32, #tpu.memory_space<vmem>>, vector<16xf32>,
      %swap3A_190 = vector.shape_cast %swap3A_189 : vector<16xf32> to vector<16xf32>
      %swap3A_191 = vector.shape_cast %sub3A_185 : vector<16xf32> to vector<16xf32>
      tpu.vector_store %arg6[%swap3A_188], %swap3A_191 {strides = array<i32>} : memref<32768xf32, #tpu.memory_space<vmem>>, vector<16xf32>,
      %mul3A_192 = arith.constant 4 : i32
      %mul3A_193 = arith.muli %scan3A_81, %mul3A_192 : i32
      %add3A_194 = arith.constant 2 : i32
      %add3A_195 = arith.addi %mul3A_193, %add3A_194 : i32
      %jit3A_196 = arith.constant 8 : i32
      %div3A_197 = arith.divsi %add3A_195, %jit3A_196 : i32
      %sign3A_198 = arith.constant 0 : i32
      %sign3A_199 = arith.cmpi sgt, %add3A_195, %sign3A_198 : i32
      %sign3A_200 = arith.extui %sign3A_199 : i1 to i32
      %sign3A_201 = arith.constant 0 : i32
      %sign3A_202 = arith.cmpi slt, %add3A_195, %sign3A_201 : i32
      %sign3A_203 = arith.extui %sign3A_202 : i1 to i32
      %sign3A_204 = arith.subi %sign3A_200, %sign3A_203 : i32
      %sign3A_205 = arith.constant 0 : i32
      %sign3A_206 = arith.cmpi sgt, %jit3A_196, %sign3A_205 : i32
      %sign3A_207 = arith.extui %sign3A_206 : i1 to i32
      %sign3A_208 = arith.constant 0 : i32
      %sign3A_209 = arith.cmpi slt, %jit3A_196, %sign3A_208 : i32
      %sign3A_210 = arith.extui %sign3A_209 : i1 to i32
      %sign3A_211 = arith.subi %sign3A_207, %sign3A_210 : i32
      %ne3A_212 = arith.cmpi ne, %sign3A_204, %sign3A_211 : i32
      %rem3A_213 = arith.remsi %add3A_195, %jit3A_196 : i32
      %ne3A_214 = arith.constant 0 : i32
      %ne3A_215 = arith.cmpi ne, %rem3A_213, %ne3A_214 : i32
      %and3A_216 = arith.andi %ne3A_212, %ne3A_215 : i1
      %sub3A_217 = arith.constant 1 : i32
      %sub3A_218 = arith.subi %div3A_197, %sub3A_217 : i32
      %select_n3A_219 = arith.select %and3A_216, %sub3A_218, %div3A_197 : i32
      %mul3A_220 = arith.constant 256 : i32
      %mul3A_221 = arith.muli %mul3A_220, %select_n3A_219 : i32
      %jit3A_222 = arith.constant 8 : i32
      %eq3A_223 = arith.constant 0 : i32
      %eq3A_224 = arith.cmpi eq, %jit3A_222, %eq3A_223 : i32
      %jit3A_225 = arith.constant 1 : i32
      %select_n3A_226 = arith.select %eq3A_224, %jit3A_225, %jit3A_222 : i32
      %rem3A_227 = arith.remsi %add3A_195, %select_n3A_226 : i32
      %ne3A_228 = arith.constant 0 : i32
      %ne3A_229 = arith.cmpi ne, %rem3A_227, %ne3A_228 : i32
      %lt3A_230 = arith.constant 0 : i32
      %lt3A_231 = arith.cmpi slt, %rem3A_227, %lt3A_230 : i32
      %lt3A_232 = arith.constant 0 : i32
      %lt3A_233 = arith.cmpi slt, %select_n3A_226, %lt3A_232 : i32
      %ne3A_234 = arith.xori %lt3A_231, %lt3A_233 : i1
      %and3A_235 = arith.andi %ne3A_234, %ne3A_229 : i1
      %add3A_236 = arith.addi %rem3A_227, %select_n3A_226 : i32
      %select_n3A_237 = arith.select %and3A_235, %add3A_236, %rem3A_227 : i32
      %mul3A_238 = arith.constant 16 : i32
      %mul3A_239 = arith.muli %mul3A_238, %select_n3A_237 : i32
      %add3A_240 = arith.addi %mul3A_221, %mul3A_239 : i32
      %get3A_241 = arith.index_cast %add3A_240 : i32 to index
      %get3A_242 = tpu.vector_load %arg6[%get3A_241] {strides = array<i32>} : memref<32768xf32, #tpu.memory_space<vmem>>, vector<16xf32>,
      %get3A_243 = vector.shape_cast %get3A_242 : vector<16xf32> to vector<16xf32>
      %sub3A_244 = arith.constant 1.000000e+00 : f32
      %sub3A_245 = vector.broadcast %sub3A_244 : f32 to vector<16xf32>
      %sub3A_246 = arith.subf %sub3A_245, %get3A_243 : vector<16xf32>
      %add3A_247 = arith.constant 128 : i32
      %add3A_248 = arith.addi %add3A_240, %add3A_247 : i32
      %swap3A_249 = arith.index_cast %add3A_248 : i32 to index
      %swap3A_250 = tpu.vector_load %arg6[%swap3A_249] {strides = array<i32>} : memref<32768xf32, #tpu.memory_space<vmem>>, vector<16xf32>,
      %swap3A_251 = vector.shape_cast %swap3A_250 : vector<16xf32> to vector<16xf32>
      %swap3A_252 = vector.shape_cast %sub3A_246 : vector<16xf32> to vector<16xf32>
      tpu.vector_store %arg6[%swap3A_249], %swap3A_252 {strides = array<i32>} : memref<32768xf32, #tpu.memory_space<vmem>>, vector<16xf32>,
      %mul3A_253 = arith.constant 4 : i32
      %mul3A_254 = arith.muli %scan3A_81, %mul3A_253 : i32
      %add3A_255 = arith.constant 3 : i32
      %add3A_256 = arith.addi %mul3A_254, %add3A_255 : i32
      %jit3A_257 = arith.constant 8 : i32
      %div3A_258 = arith.divsi %add3A_256, %jit3A_257 : i32
      %sign3A_259 = arith.constant 0 : i32
      %sign3A_260 = arith.cmpi sgt, %add3A_256, %sign3A_259 : i32
      %sign3A_261 = arith.extui %sign3A_260 : i1 to i32
      %sign3A_262 = arith.constant 0 : i32
      %sign3A_263 = arith.cmpi slt, %add3A_256, %sign3A_262 : i32
      %sign3A_264 = arith.extui %sign3A_263 : i1 to i32
      %sign3A_265 = arith.subi %sign3A_261, %sign3A_264 : i32
      %sign3A_266 = arith.constant 0 : i32
      %sign3A_267 = arith.cmpi sgt, %jit3A_257, %sign3A_266 : i32
      %sign3A_268 = arith.extui %sign3A_267 : i1 to i32
      %sign3A_269 = arith.constant 0 : i32
      %sign3A_270 = arith.cmpi slt, %jit3A_257, %sign3A_269 : i32
      %sign3A_271 = arith.extui %sign3A_270 : i1 to i32
      %sign3A_272 = arith.subi %sign3A_268, %sign3A_271 : i32
      %ne3A_273 = arith.cmpi ne, %sign3A_265, %sign3A_272 : i32
      %rem3A_274 = arith.remsi %add3A_256, %jit3A_257 : i32
      %ne3A_275 = arith.constant 0 : i32
      %ne3A_276 = arith.cmpi ne, %rem3A_274, %ne3A_275 : i32
      %and3A_277 = arith.andi %ne3A_273, %ne3A_276 : i1
      %sub3A_278 = arith.constant 1 : i32
      %sub3A_279 = arith.subi %div3A_258, %sub3A_278 : i32
      %select_n3A_280 = arith.select %and3A_277, %sub3A_279, %div3A_258 : i32
      %mul3A_281 = arith.constant 256 : i32
      %mul3A_282 = arith.muli %mul3A_281, %select_n3A_280 : i32
      %jit3A_283 = arith.constant 8 : i32
      %eq3A_284 = arith.constant 0 : i32
      %eq3A_285 = arith.cmpi eq, %jit3A_283, %eq3A_284 : i32
      %jit3A_286 = arith.constant 1 : i32
      %select_n3A_287 = arith.select %eq3A_285, %jit3A_286, %jit3A_283 : i32
      %rem3A_288 = arith.remsi %add3A_256, %select_n3A_287 : i32
      %ne3A_289 = arith.constant 0 : i32
      %ne3A_290 = arith.cmpi ne, %rem3A_288, %ne3A_289 : i32
      %lt3A_291 = arith.constant 0 : i32
      %lt3A_292 = arith.cmpi slt, %rem3A_288, %lt3A_291 : i32
      %lt3A_293 = arith.constant 0 : i32
      %lt3A_294 = arith.cmpi slt, %select_n3A_287, %lt3A_293 : i32
      %ne3A_295 = arith.xori %lt3A_292, %lt3A_294 : i1
      %and3A_296 = arith.andi %ne3A_295, %ne3A_290 : i1
      %add3A_297 = arith.addi %rem3A_288, %select_n3A_287 : i32
      %select_n3A_298 = arith.select %and3A_296, %add3A_297, %rem3A_288 : i32
      %mul3A_299 = arith.constant 16 : i32
      %mul3A_300 = arith.muli %mul3A_299, %select_n3A_298 : i32
      %add3A_301 = arith.addi %mul3A_282, %mul3A_300 : i32
      %get3A_302 = arith.index_cast %add3A_301 : i32 to index
      %get3A_303 = tpu.vector_load %arg6[%get3A_302] {strides = array<i32>} : memref<32768xf32, #tpu.memory_space<vmem>>, vector<16xf32>,
      %get3A_304 = vector.shape_cast %get3A_303 : vector<16xf32> to vector<16xf32>
      %sub3A_305 = arith.constant 1.000000e+00 : f32
      %sub3A_306 = vector.broadcast %sub3A_305 : f32 to vector<16xf32>
      %sub3A_307 = arith.subf %sub3A_306, %get3A_304 : vector<16xf32>
      %add3A_308 = arith.constant 128 : i32
      %add3A_309 = arith.addi %add3A_301, %add3A_308 : i32
      %swap3A_310 = arith.index_cast %add3A_309 : i32 to index
      %swap3A_311 = tpu.vector_load %arg6[%swap3A_310] {strides = array<i32>} : memref<32768xf32, #tpu.memory_space<vmem>>, vector<16xf32>,
      %swap3A_312 = vector.shape_cast %swap3A_311 : vector<16xf32> to vector<16xf32>
      %swap3A_313 = vector.shape_cast %sub3A_307 : vector<16xf32> to vector<16xf32>
      tpu.vector_store %arg6[%swap3A_310], %swap3A_313 {strides = array<i32>} : memref<32768xf32, #tpu.memory_space<vmem>>, vector<16xf32>,
    }
    %scan3A_50 = arith.constant 64 : i32
    %dma_wait3A_51 = arith.constant 0 : i32
    %dma_wait3A_52 = tpu.memref_slice %arg6[%dma_wait3A_51] : memref<32768xf32, #tpu.memory_space<vmem>> -> memref<4096xf32, #tpu.memory_space<vmem>>
    %dma_wait3A_53 = arith.constant 0 : i32
    %dma_wait3A_54 = tpu.memref_slice %arg2[%dma_wait3A_53] : memref<1048576xf32, #tpu.memory_space<hbm>> -> memref<4096xf32, #tpu.memory_space<hbm>>
    %dma_wait3A_55 = arith.constant 0 : i32
    %dma_wait3A_56 = tpu.memref_slice %arg6[%dma_wait3A_55] : memref<32768xf32, #tpu.memory_space<vmem>> -> memref<4096xf32, #tpu.memory_space<vmem>>
    %dma_wait3A_57 = arith.constant 0 : i32
    %dma_wait3A_58 = tpu.memref_slice %arg2[%dma_wait3A_57] : memref<1048576xf32, #tpu.memory_space<hbm>> -> memref<4096xf32, #tpu.memory_space<hbm>>
    tpu.wait_dma2 semaphore(%arg9 : memref<!tpu.dma_semaphore, #tpu.memory_space<semaphore_mem>>) src(%dma_wait3A_58 : memref<4096xf32, #tpu.memory_space<hbm>>) dst(%dma_wait3A_56 : memref<4096xf32, #tpu.memory_space<vmem>>)
    %scan3A_59 = arith.constant 0 : i32
    %scan3A_60 = arith.constant 128 : i32
    %scan3A_61 = arith.constant 64 : i32
    %scan3A_62 = arith.addi %scan3A_60, %scan3A_61 : i32
    %scan3A_63 = arith.constant 1 : i32
    scf.for %scan3A_81 = %scan3A_60 to %scan3A_62 step %scan3A_63  : i32 {
      %mul3A_82 = arith.constant 4 : i32
      %mul3A_83 = arith.muli %scan3A_81, %mul3A_82 : i32
      %add3A_84 = arith.constant 0 : i32
      %add3A_85 = arith.addi %mul3A_83, %add3A_84 : i32
      %jit3A = arith.constant 8 : i32
      %div3A = arith.divsi %add3A_85, %jit3A : i32
      %sign3A = arith.constant 0 : i32
      %sign3A_86 = arith.cmpi sgt, %add3A_85, %sign3A : i32
      %sign3A_87 = arith.extui %sign3A_86 : i1 to i32
      %sign3A_88 = arith.constant 0 : i32
      %sign3A_89 = arith.cmpi slt, %add3A_85, %sign3A_88 : i32
      %sign3A_90 = arith.extui %sign3A_89 : i1 to i32
      %sign3A_91 = arith.subi %sign3A_87, %sign3A_90 : i32
      %sign3A_92 = arith.constant 0 : i32
      %sign3A_93 = arith.cmpi sgt, %jit3A, %sign3A_92 : i32
      %sign3A_94 = arith.extui %sign3A_93 : i1 to i32
      %sign3A_95 = arith.constant 0 : i32
      %sign3A_96 = arith.cmpi slt, %jit3A, %sign3A_95 : i32
      %sign3A_97 = arith.extui %sign3A_96 : i1 to i32
      %sign3A_98 = arith.subi %sign3A_94, %sign3A_97 : i32
      %ne3A = arith.cmpi ne, %sign3A_91, %sign3A_98 : i32
      %rem3A = arith.remsi %add3A_85, %jit3A : i32
      %ne3A_99 = arith.constant 0 : i32
      %ne3A_100 = arith.cmpi ne, %rem3A, %ne3A_99 : i32
      %and3A = arith.andi %ne3A, %ne3A_100 : i1
      %sub3A = arith.constant 1 : i32
      %sub3A_101 = arith.subi %div3A, %sub3A : i32
      %select_n3A = arith.select %and3A, %sub3A_101, %div3A : i32
      %mul3A_102 = arith.constant 256 : i32
      %mul3A_103 = arith.muli %mul3A_102, %select_n3A : i32
      %jit3A_104 = arith.constant 8 : i32
      %eq3A = arith.constant 0 : i32
      %eq3A_105 = arith.cmpi eq, %jit3A_104, %eq3A : i32
      %jit3A_106 = arith.constant 1 : i32
      %select_n3A_107 = arith.select %eq3A_105, %jit3A_106, %jit3A_104 : i32
      %rem3A_108 = arith.remsi %add3A_85, %select_n3A_107 : i32
      %ne3A_109 = arith.constant 0 : i32
      %ne3A_110 = arith.cmpi ne, %rem3A_108, %ne3A_109 : i32
      %lt3A = arith.constant 0 : i32
      %lt3A_111 = arith.cmpi slt, %rem3A_108, %lt3A : i32
      %lt3A_112 = arith.constant 0 : i32
      %lt3A_113 = arith.cmpi slt, %select_n3A_107, %lt3A_112 : i32
      %ne3A_114 = arith.xori %lt3A_111, %lt3A_113 : i1
      %and3A_115 = arith.andi %ne3A_114, %ne3A_110 : i1
      %add3A_116 = arith.addi %rem3A_108, %select_n3A_107 : i32
      %select_n3A_117 = arith.select %and3A_115, %add3A_116, %rem3A_108 : i32
      %mul3A_118 = arith.constant 16 : i32
      %mul3A_119 = arith.muli %mul3A_118, %select_n3A_117 : i32
      %add3A_120 = arith.addi %mul3A_103, %mul3A_119 : i32
      %get3A = arith.index_cast %add3A_120 : i32 to index
      %get3A_121 = tpu.vector_load %arg6[%get3A] {strides = array<i32>} : memref<32768xf32, #tpu.memory_space<vmem>>, vector<16xf32>,
      %get3A_122 = vector.shape_cast %get3A_121 : vector<16xf32> to vector<16xf32>
      %sub3A_123 = arith.constant 1.000000e+00 : f32
      %sub3A_124 = vector.broadcast %sub3A_123 : f32 to vector<16xf32>
      %sub3A_125 = arith.subf %sub3A_124, %get3A_122 : vector<16xf32>
      %add3A_126 = arith.constant 128 : i32
      %add3A_127 = arith.addi %add3A_120, %add3A_126 : i32
      %swap3A = arith.index_cast %add3A_127 : i32 to index
      %swap3A_128 = tpu.vector_load %arg6[%swap3A] {strides = array<i32>} : memref<32768xf32, #tpu.memory_space<vmem>>, vector<16xf32>,
      %swap3A_129 = vector.shape_cast %swap3A_128 : vector<16xf32> to vector<16xf32>
      %swap3A_130 = vector.shape_cast %sub3A_125 : vector<16xf32> to vector<16xf32>
      tpu.vector_store %arg6[%swap3A], %swap3A_130 {strides = array<i32>} : memref<32768xf32, #tpu.memory_space<vmem>>, vector<16xf32>,
      %mul3A_131 = arith.constant 4 : i32
      %mul3A_132 = arith.muli %scan3A_81, %mul3A_131 : i32
      %add3A_133 = arith.constant 1 : i32
      %add3A_134 = arith.addi %mul3A_132, %add3A_133 : i32
      %jit3A_135 = arith.constant 8 : i32
      %div3A_136 = arith.divsi %add3A_134, %jit3A_135 : i32
      %sign3A_137 = arith.constant 0 : i32
      %sign3A_138 = arith.cmpi sgt, %add3A_134, %sign3A_137 : i32
      %sign3A_139 = arith.extui %sign3A_138 : i1 to i32
      %sign3A_140 = arith.constant 0 : i32
      %sign3A_141 = arith.cmpi slt, %add3A_134, %sign3A_140 : i32
      %sign3A_142 = arith.extui %sign3A_141 : i1 to i32
      %sign3A_143 = arith.subi %sign3A_139, %sign3A_142 : i32
      %sign3A_144 = arith.constant 0 : i32
      %sign3A_145 = arith.cmpi sgt, %jit3A_135, %sign3A_144 : i32
      %sign3A_146 = arith.extui %sign3A_145 : i1 to i32
      %sign3A_147 = arith.constant 0 : i32
      %sign3A_148 = arith.cmpi slt, %jit3A_135, %sign3A_147 : i32
      %sign3A_149 = arith.extui %sign3A_148 : i1 to i32
      %sign3A_150 = arith.subi %sign3A_146, %sign3A_149 : i32
      %ne3A_151 = arith.cmpi ne, %sign3A_143, %sign3A_150 : i32
      %rem3A_152 = arith.remsi %add3A_134, %jit3A_135 : i32
      %ne3A_153 = arith.constant 0 : i32
      %ne3A_154 = arith.cmpi ne, %rem3A_152, %ne3A_153 : i32
      %and3A_155 = arith.andi %ne3A_151, %ne3A_154 : i1
      %sub3A_156 = arith.constant 1 : i32
      %sub3A_157 = arith.subi %div3A_136, %sub3A_156 : i32
      %select_n3A_158 = arith.select %and3A_155, %sub3A_157, %div3A_136 : i32
      %mul3A_159 = arith.constant 256 : i32
      %mul3A_160 = arith.muli %mul3A_159, %select_n3A_158 : i32
      %jit3A_161 = arith.constant 8 : i32
      %eq3A_162 = arith.constant 0 : i32
      %eq3A_163 = arith.cmpi eq, %jit3A_161, %eq3A_162 : i32
      %jit3A_164 = arith.constant 1 : i32
      %select_n3A_165 = arith.select %eq3A_163, %jit3A_164, %jit3A_161 : i32
      %rem3A_166 = arith.remsi %add3A_134, %select_n3A_165 : i32
      %ne3A_167 = arith.constant 0 : i32
      %ne3A_168 = arith.cmpi ne, %rem3A_166, %ne3A_167 : i32
      %lt3A_169 = arith.constant 0 : i32
      %lt3A_170 = arith.cmpi slt, %rem3A_166, %lt3A_169 : i32
      %lt3A_171 = arith.constant 0 : i32
      %lt3A_172 = arith.cmpi slt, %select_n3A_165, %lt3A_171 : i32
      %ne3A_173 = arith.xori %lt3A_170, %lt3A_172 : i1
      %and3A_174 = arith.andi %ne3A_173, %ne3A_168 : i1
      %add3A_175 = arith.addi %rem3A_166, %select_n3A_165 : i32
      %select_n3A_176 = arith.select %and3A_174, %add3A_175, %rem3A_166 : i32
      %mul3A_177 = arith.constant 16 : i32
      %mul3A_178 = arith.muli %mul3A_177, %select_n3A_176 : i32
      %add3A_179 = arith.addi %mul3A_160, %mul3A_178 : i32
      %get3A_180 = arith.index_cast %add3A_179 : i32 to index
      %get3A_181 = tpu.vector_load %arg6[%get3A_180] {strides = array<i32>} : memref<32768xf32, #tpu.memory_space<vmem>>, vector<16xf32>,
      %get3A_182 = vector.shape_cast %get3A_181 : vector<16xf32> to vector<16xf32>
      %sub3A_183 = arith.constant 1.000000e+00 : f32
      %sub3A_184 = vector.broadcast %sub3A_183 : f32 to vector<16xf32>
      %sub3A_185 = arith.subf %sub3A_184, %get3A_182 : vector<16xf32>
      %add3A_186 = arith.constant 128 : i32
      %add3A_187 = arith.addi %add3A_179, %add3A_186 : i32
      %swap3A_188 = arith.index_cast %add3A_187 : i32 to index
      %swap3A_189 = tpu.vector_load %arg6[%swap3A_188] {strides = array<i32>} : memref<32768xf32, #tpu.memory_space<vmem>>, vector<16xf32>,
      %swap3A_190 = vector.shape_cast %swap3A_189 : vector<16xf32> to vector<16xf32>
      %swap3A_191 = vector.shape_cast %sub3A_185 : vector<16xf32> to vector<16xf32>
      tpu.vector_store %arg6[%swap3A_188], %swap3A_191 {strides = array<i32>} : memref<32768xf32, #tpu.memory_space<vmem>>, vector<16xf32>,
      %mul3A_192 = arith.constant 4 : i32
      %mul3A_193 = arith.muli %scan3A_81, %mul3A_192 : i32
      %add3A_194 = arith.constant 2 : i32
      %add3A_195 = arith.addi %mul3A_193, %add3A_194 : i32
      %jit3A_196 = arith.constant 8 : i32
      %div3A_197 = arith.divsi %add3A_195, %jit3A_196 : i32
      %sign3A_198 = arith.constant 0 : i32
      %sign3A_199 = arith.cmpi sgt, %add3A_195, %sign3A_198 : i32
      %sign3A_200 = arith.extui %sign3A_199 : i1 to i32
      %sign3A_201 = arith.constant 0 : i32
      %sign3A_202 = arith.cmpi slt, %add3A_195, %sign3A_201 : i32
      %sign3A_203 = arith.extui %sign3A_202 : i1 to i32
      %sign3A_204 = arith.subi %sign3A_200, %sign3A_203 : i32
      %sign3A_205 = arith.constant 0 : i32
      %sign3A_206 = arith.cmpi sgt, %jit3A_196, %sign3A_205 : i32
      %sign3A_207 = arith.extui %sign3A_206 : i1 to i32
      %sign3A_208 = arith.constant 0 : i32
      %sign3A_209 = arith.cmpi slt, %jit3A_196, %sign3A_208 : i32
      %sign3A_210 = arith.extui %sign3A_209 : i1 to i32
      %sign3A_211 = arith.subi %sign3A_207, %sign3A_210 : i32
      %ne3A_212 = arith.cmpi ne, %sign3A_204, %sign3A_211 : i32
      %rem3A_213 = arith.remsi %add3A_195, %jit3A_196 : i32
      %ne3A_214 = arith.constant 0 : i32
      %ne3A_215 = arith.cmpi ne, %rem3A_213, %ne3A_214 : i32
      %and3A_216 = arith.andi %ne3A_212, %ne3A_215 : i1
      %sub3A_217 = arith.constant 1 : i32
      %sub3A_218 = arith.subi %div3A_197, %sub3A_217 : i32
      %select_n3A_219 = arith.select %and3A_216, %sub3A_218, %div3A_197 : i32
      %mul3A_220 = arith.constant 256 : i32
      %mul3A_221 = arith.muli %mul3A_220, %select_n3A_219 : i32
      %jit3A_222 = arith.constant 8 : i32
      %eq3A_223 = arith.constant 0 : i32
      %eq3A_224 = arith.cmpi eq, %jit3A_222, %eq3A_223 : i32
      %jit3A_225 = arith.constant 1 : i32
      %select_n3A_226 = arith.select %eq3A_224, %jit3A_225, %jit3A_222 : i32
      %rem3A_227 = arith.remsi %add3A_195, %select_n3A_226 : i32
      %ne3A_228 = arith.constant 0 : i32
      %ne3A_229 = arith.cmpi ne, %rem3A_227, %ne3A_228 : i32
      %lt3A_230 = arith.constant 0 : i32
      %lt3A_231 = arith.cmpi slt, %rem3A_227, %lt3A_230 : i32
      %lt3A_232 = arith.constant 0 : i32
      %lt3A_233 = arith.cmpi slt, %select_n3A_226, %lt3A_232 : i32
      %ne3A_234 = arith.xori %lt3A_231, %lt3A_233 : i1
      %and3A_235 = arith.andi %ne3A_234, %ne3A_229 : i1
      %add3A_236 = arith.addi %rem3A_227, %select_n3A_226 : i32
      %select_n3A_237 = arith.select %and3A_235, %add3A_236, %rem3A_227 : i32
      %mul3A_238 = arith.constant 16 : i32
      %mul3A_239 = arith.muli %mul3A_238, %select_n3A_237 : i32
      %add3A_240 = arith.addi %mul3A_221, %mul3A_239 : i32
      %get3A_241 = arith.index_cast %add3A_240 : i32 to index
      %get3A_242 = tpu.vector_load %arg6[%get3A_241] {strides = array<i32>} : memref<32768xf32, #tpu.memory_space<vmem>>, vector<16xf32>,
      %get3A_243 = vector.shape_cast %get3A_242 : vector<16xf32> to vector<16xf32>
      %sub3A_244 = arith.constant 1.000000e+00 : f32
      %sub3A_245 = vector.broadcast %sub3A_244 : f32 to vector<16xf32>
      %sub3A_246 = arith.subf %sub3A_245, %get3A_243 : vector<16xf32>
      %add3A_247 = arith.constant 128 : i32
      %add3A_248 = arith.addi %add3A_240, %add3A_247 : i32
      %swap3A_249 = arith.index_cast %add3A_248 : i32 to index
      %swap3A_250 = tpu.vector_load %arg6[%swap3A_249] {strides = array<i32>} : memref<32768xf32, #tpu.memory_space<vmem>>, vector<16xf32>,
      %swap3A_251 = vector.shape_cast %swap3A_250 : vector<16xf32> to vector<16xf32>
      %swap3A_252 = vector.shape_cast %sub3A_246 : vector<16xf32> to vector<16xf32>
      tpu.vector_store %arg6[%swap3A_249], %swap3A_252 {strides = array<i32>} : memref<32768xf32, #tpu.memory_space<vmem>>, vector<16xf32>,
      %mul3A_253 = arith.constant 4 : i32
      %mul3A_254 = arith.muli %scan3A_81, %mul3A_253 : i32
      %add3A_255 = arith.constant 3 : i32
      %add3A_256 = arith.addi %mul3A_254, %add3A_255 : i32
      %jit3A_257 = arith.constant 8 : i32
      %div3A_258 = arith.divsi %add3A_256, %jit3A_257 : i32
      %sign3A_259 = arith.constant 0 : i32
      %sign3A_260 = arith.cmpi sgt, %add3A_256, %sign3A_259 : i32
      %sign3A_261 = arith.extui %sign3A_260 : i1 to i32
      %sign3A_262 = arith.constant 0 : i32
      %sign3A_263 = arith.cmpi slt, %add3A_256, %sign3A_262 : i32
      %sign3A_264 = arith.extui %sign3A_263 : i1 to i32
      %sign3A_265 = arith.subi %sign3A_261, %sign3A_264 : i32
      %sign3A_266 = arith.constant 0 : i32
      %sign3A_267 = arith.cmpi sgt, %jit3A_257, %sign3A_266 : i32
      %sign3A_268 = arith.extui %sign3A_267 : i1 to i32
      %sign3A_269 = arith.constant 0 : i32
      %sign3A_270 = arith.cmpi slt, %jit3A_257, %sign3A_269 : i32
      %sign3A_271 = arith.extui %sign3A_270 : i1 to i32
      %sign3A_272 = arith.subi %sign3A_268, %sign3A_271 : i32
      %ne3A_273 = arith.cmpi ne, %sign3A_265, %sign3A_272 : i32
      %rem3A_274 = arith.remsi %add3A_256, %jit3A_257 : i32
      %ne3A_275 = arith.constant 0 : i32
      %ne3A_276 = arith.cmpi ne, %rem3A_274, %ne3A_275 : i32
      %and3A_277 = arith.andi %ne3A_273, %ne3A_276 : i1
      %sub3A_278 = arith.constant 1 : i32
      %sub3A_279 = arith.subi %div3A_258, %sub3A_278 : i32
      %select_n3A_280 = arith.select %and3A_277, %sub3A_279, %div3A_258 : i32
      %mul3A_281 = arith.constant 256 : i32
      %mul3A_282 = arith.muli %mul3A_281, %select_n3A_280 : i32
      %jit3A_283 = arith.constant 8 : i32
      %eq3A_284 = arith.constant 0 : i32
      %eq3A_285 = arith.cmpi eq, %jit3A_283, %eq3A_284 : i32
      %jit3A_286 = arith.constant 1 : i32
      %select_n3A_287 = arith.select %eq3A_285, %jit3A_286, %jit3A_283 : i32
      %rem3A_288 = arith.remsi %add3A_256, %select_n3A_287 : i32
      %ne3A_289 = arith.constant 0 : i32
      %ne3A_290 = arith.cmpi ne, %rem3A_288, %ne3A_289 : i32
      %lt3A_291 = arith.constant 0 : i32
      %lt3A_292 = arith.cmpi slt, %rem3A_288, %lt3A_291 : i32
      %lt3A_293 = arith.constant 0 : i32
      %lt3A_294 = arith.cmpi slt, %select_n3A_287, %lt3A_293 : i32
      %ne3A_295 = arith.xori %lt3A_292, %lt3A_294 : i1
      %and3A_296 = arith.andi %ne3A_295, %ne3A_290 : i1
      %add3A_297 = arith.addi %rem3A_288, %select_n3A_287 : i32
      %select_n3A_298 = arith.select %and3A_296, %add3A_297, %rem3A_288 : i32
      %mul3A_299 = arith.constant 16 : i32
      %mul3A_300 = arith.muli %mul3A_299, %select_n3A_298 : i32
      %add3A_301 = arith.addi %mul3A_282, %mul3A_300 : i32
      %get3A_302 = arith.index_cast %add3A_301 : i32 to index
      %get3A_303 = tpu.vector_load %arg6[%get3A_302] {strides = array<i32>} : memref<32768xf32, #tpu.memory_space<vmem>>, vector<16xf32>,
      %get3A_304 = vector.shape_cast %get3A_303 : vector<16xf32> to vector<16xf32>
      %sub3A_305 = arith.constant 1.000000e+00 : f32
      %sub3A_306 = vector.broadcast %sub3A_305 : f32 to vector<16xf32>
      %sub3A_307 = arith.subf %sub3A_306, %get3A_304 : vector<16xf32>
      %add3A_308 = arith.constant 128 : i32
      %add3A_309 = arith.addi %add3A_301, %add3A_308 : i32
      %swap3A_310 = arith.index_cast %add3A_309 : i32 to index
      %swap3A_311 = tpu.vector_load %arg6[%swap3A_310] {strides = array<i32>} : memref<32768xf32, #tpu.memory_space<vmem>>, vector<16xf32>,
      %swap3A_312 = vector.shape_cast %swap3A_311 : vector<16xf32> to vector<16xf32>
      %swap3A_313 = vector.shape_cast %sub3A_307 : vector<16xf32> to vector<16xf32>
      tpu.vector_store %arg6[%swap3A_310], %swap3A_313 {strides = array<i32>} : memref<32768xf32, #tpu.memory_space<vmem>>, vector<16xf32>,
    }
    %scan3A_64 = arith.constant 64 : i32
    %dma_wait3A_65 = arith.constant 0 : i32
    %dma_wait3A_66 = tpu.memref_slice %arg6[%dma_wait3A_65] : memref<32768xf32, #tpu.memory_space<vmem>> -> memref<4096xf32, #tpu.memory_space<vmem>>
    %dma_wait3A_67 = arith.constant 0 : i32
    %dma_wait3A_68 = tpu.memref_slice %arg2[%dma_wait3A_67] : memref<1048576xf32, #tpu.memory_space<hbm>> -> memref<4096xf32, #tpu.memory_space<hbm>>
    %dma_wait3A_69 = arith.constant 0 : i32
    %dma_wait3A_70 = tpu.memref_slice %arg6[%dma_wait3A_69] : memref<32768xf32, #tpu.memory_space<vmem>> -> memref<4096xf32, #tpu.memory_space<vmem>>
    %dma_wait3A_71 = arith.constant 0 : i32
    %dma_wait3A_72 = tpu.memref_slice %arg2[%dma_wait3A_71] : memref<1048576xf32, #tpu.memory_space<hbm>> -> memref<4096xf32, #tpu.memory_space<hbm>>
    tpu.wait_dma2 semaphore(%arg10 : memref<!tpu.dma_semaphore, #tpu.memory_space<semaphore_mem>>) src(%dma_wait3A_72 : memref<4096xf32, #tpu.memory_space<hbm>>) dst(%dma_wait3A_70 : memref<4096xf32, #tpu.memory_space<vmem>>)
    %scan3A_73 = arith.constant 0 : i32
    %scan3A_74 = arith.constant 192 : i32
    %scan3A_75 = arith.constant 64 : i32
    %scan3A_76 = arith.addi %scan3A_74, %scan3A_75 : i32
    %scan3A_77 = arith.constant 1 : i32
    scf.for %scan3A_81 = %scan3A_74 to %scan3A_76 step %scan3A_77  : i32 {
      %mul3A_82 = arith.constant 4 : i32
      %mul3A_83 = arith.muli %scan3A_81, %mul3A_82 : i32
      %add3A_84 = arith.constant 0 : i32
      %add3A_85 = arith.addi %mul3A_83, %add3A_84 : i32
      %jit3A = arith.constant 8 : i32
      %div3A = arith.divsi %add3A_85, %jit3A : i32
      %sign3A = arith.constant 0 : i32
      %sign3A_86 = arith.cmpi sgt, %add3A_85, %sign3A : i32
      %sign3A_87 = arith.extui %sign3A_86 : i1 to i32
      %sign3A_88 = arith.constant 0 : i32
      %sign3A_89 = arith.cmpi slt, %add3A_85, %sign3A_88 : i32
      %sign3A_90 = arith.extui %sign3A_89 : i1 to i32
      %sign3A_91 = arith.subi %sign3A_87, %sign3A_90 : i32
      %sign3A_92 = arith.constant 0 : i32
      %sign3A_93 = arith.cmpi sgt, %jit3A, %sign3A_92 : i32
      %sign3A_94 = arith.extui %sign3A_93 : i1 to i32
      %sign3A_95 = arith.constant 0 : i32
      %sign3A_96 = arith.cmpi slt, %jit3A, %sign3A_95 : i32
      %sign3A_97 = arith.extui %sign3A_96 : i1 to i32
      %sign3A_98 = arith.subi %sign3A_94, %sign3A_97 : i32
      %ne3A = arith.cmpi ne, %sign3A_91, %sign3A_98 : i32
      %rem3A = arith.remsi %add3A_85, %jit3A : i32
      %ne3A_99 = arith.constant 0 : i32
      %ne3A_100 = arith.cmpi ne, %rem3A, %ne3A_99 : i32
      %and3A = arith.andi %ne3A, %ne3A_100 : i1
      %sub3A = arith.constant 1 : i32
      %sub3A_101 = arith.subi %div3A, %sub3A : i32
      %select_n3A = arith.select %and3A, %sub3A_101, %div3A : i32
      %mul3A_102 = arith.constant 256 : i32
      %mul3A_103 = arith.muli %mul3A_102, %select_n3A : i32
      %jit3A_104 = arith.constant 8 : i32
      %eq3A = arith.constant 0 : i32
      %eq3A_105 = arith.cmpi eq, %jit3A_104, %eq3A : i32
      %jit3A_106 = arith.constant 1 : i32
      %select_n3A_107 = arith.select %eq3A_105, %jit3A_106, %jit3A_104 : i32
      %rem3A_108 = arith.remsi %add3A_85, %select_n3A_107 : i32
      %ne3A_109 = arith.constant 0 : i32
      %ne3A_110 = arith.cmpi ne, %rem3A_108, %ne3A_109 : i32
      %lt3A = arith.constant 0 : i32
      %lt3A_111 = arith.cmpi slt, %rem3A_108, %lt3A : i32
      %lt3A_112 = arith.constant 0 : i32
      %lt3A_113 = arith.cmpi slt, %select_n3A_107, %lt3A_112 : i32
      %ne3A_114 = arith.xori %lt3A_111, %lt3A_113 : i1
      %and3A_115 = arith.andi %ne3A_114, %ne3A_110 : i1
      %add3A_116 = arith.addi %rem3A_108, %select_n3A_107 : i32
      %select_n3A_117 = arith.select %and3A_115, %add3A_116, %rem3A_108 : i32
      %mul3A_118 = arith.constant 16 : i32
      %mul3A_119 = arith.muli %mul3A_118, %select_n3A_117 : i32
      %add3A_120 = arith.addi %mul3A_103, %mul3A_119 : i32
      %get3A = arith.index_cast %add3A_120 : i32 to index
      %get3A_121 = tpu.vector_load %arg6[%get3A] {strides = array<i32>} : memref<32768xf32, #tpu.memory_space<vmem>>, vector<16xf32>,
      %get3A_122 = vector.shape_cast %get3A_121 : vector<16xf32> to vector<16xf32>
      %sub3A_123 = arith.constant 1.000000e+00 : f32
      %sub3A_124 = vector.broadcast %sub3A_123 : f32 to vector<16xf32>
      %sub3A_125 = arith.subf %sub3A_124, %get3A_122 : vector<16xf32>
      %add3A_126 = arith.constant 128 : i32
      %add3A_127 = arith.addi %add3A_120, %add3A_126 : i32
      %swap3A = arith.index_cast %add3A_127 : i32 to index
      %swap3A_128 = tpu.vector_load %arg6[%swap3A] {strides = array<i32>} : memref<32768xf32, #tpu.memory_space<vmem>>, vector<16xf32>,
      %swap3A_129 = vector.shape_cast %swap3A_128 : vector<16xf32> to vector<16xf32>
      %swap3A_130 = vector.shape_cast %sub3A_125 : vector<16xf32> to vector<16xf32>
      tpu.vector_store %arg6[%swap3A], %swap3A_130 {strides = array<i32>} : memref<32768xf32, #tpu.memory_space<vmem>>, vector<16xf32>,
      %mul3A_131 = arith.constant 4 : i32
      %mul3A_132 = arith.muli %scan3A_81, %mul3A_131 : i32
      %add3A_133 = arith.constant 1 : i32
      %add3A_134 = arith.addi %mul3A_132, %add3A_133 : i32
      %jit3A_135 = arith.constant 8 : i32
      %div3A_136 = arith.divsi %add3A_134, %jit3A_135 : i32
      %sign3A_137 = arith.constant 0 : i32
      %sign3A_138 = arith.cmpi sgt, %add3A_134, %sign3A_137 : i32
      %sign3A_139 = arith.extui %sign3A_138 : i1 to i32
      %sign3A_140 = arith.constant 0 : i32
      %sign3A_141 = arith.cmpi slt, %add3A_134, %sign3A_140 : i32
      %sign3A_142 = arith.extui %sign3A_141 : i1 to i32
      %sign3A_143 = arith.subi %sign3A_139, %sign3A_142 : i32
      %sign3A_144 = arith.constant 0 : i32
      %sign3A_145 = arith.cmpi sgt, %jit3A_135, %sign3A_144 : i32
      %sign3A_146 = arith.extui %sign3A_145 : i1 to i32
      %sign3A_147 = arith.constant 0 : i32
      %sign3A_148 = arith.cmpi slt, %jit3A_135, %sign3A_147 : i32
      %sign3A_149 = arith.extui %sign3A_148 : i1 to i32
      %sign3A_150 = arith.subi %sign3A_146, %sign3A_149 : i32
      %ne3A_151 = arith.cmpi ne, %sign3A_143, %sign3A_150 : i32
      %rem3A_152 = arith.remsi %add3A_134, %jit3A_135 : i32
      %ne3A_153 = arith.constant 0 : i32
      %ne3A_154 = arith.cmpi ne, %rem3A_152, %ne3A_153 : i32
      %and3A_155 = arith.andi %ne3A_151, %ne3A_154 : i1
      %sub3A_156 = arith.constant 1 : i32
      %sub3A_157 = arith.subi %div3A_136, %sub3A_156 : i32
      %select_n3A_158 = arith.select %and3A_155, %sub3A_157, %div3A_136 : i32
      %mul3A_159 = arith.constant 256 : i32
      %mul3A_160 = arith.muli %mul3A_159, %select_n3A_158 : i32
      %jit3A_161 = arith.constant 8 : i32
      %eq3A_162 = arith.constant 0 : i32
      %eq3A_163 = arith.cmpi eq, %jit3A_161, %eq3A_162 : i32
      %jit3A_164 = arith.constant 1 : i32
      %select_n3A_165 = arith.select %eq3A_163, %jit3A_164, %jit3A_161 : i32
      %rem3A_166 = arith.remsi %add3A_134, %select_n3A_165 : i32
      %ne3A_167 = arith.constant 0 : i32
      %ne3A_168 = arith.cmpi ne, %rem3A_166, %ne3A_167 : i32
      %lt3A_169 = arith.constant 0 : i32
      %lt3A_170 = arith.cmpi slt, %rem3A_166, %lt3A_169 : i32
      %lt3A_171 = arith.constant 0 : i32
      %lt3A_172 = arith.cmpi slt, %select_n3A_165, %lt3A_171 : i32
      %ne3A_173 = arith.xori %lt3A_170, %lt3A_172 : i1
      %and3A_174 = arith.andi %ne3A_173, %ne3A_168 : i1
      %add3A_175 = arith.addi %rem3A_166, %select_n3A_165 : i32
      %select_n3A_176 = arith.select %and3A_174, %add3A_175, %rem3A_166 : i32
      %mul3A_177 = arith.constant 16 : i32
      %mul3A_178 = arith.muli %mul3A_177, %select_n3A_176 : i32
      %add3A_179 = arith.addi %mul3A_160, %mul3A_178 : i32
      %get3A_180 = arith.index_cast %add3A_179 : i32 to index
      %get3A_181 = tpu.vector_load %arg6[%get3A_180] {strides = array<i32>} : memref<32768xf32, #tpu.memory_space<vmem>>, vector<16xf32>,
      %get3A_182 = vector.shape_cast %get3A_181 : vector<16xf32> to vector<16xf32>
      %sub3A_183 = arith.constant 1.000000e+00 : f32
      %sub3A_184 = vector.broadcast %sub3A_183 : f32 to vector<16xf32>
      %sub3A_185 = arith.subf %sub3A_184, %get3A_182 : vector<16xf32>
      %add3A_186 = arith.constant 128 : i32
      %add3A_187 = arith.addi %add3A_179, %add3A_186 : i32
      %swap3A_188 = arith.index_cast %add3A_187 : i32 to index
      %swap3A_189 = tpu.vector_load %arg6[%swap3A_188] {strides = array<i32>} : memref<32768xf32, #tpu.memory_space<vmem>>, vector<16xf32>,
      %swap3A_190 = vector.shape_cast %swap3A_189 : vector<16xf32> to vector<16xf32>
      %swap3A_191 = vector.shape_cast %sub3A_185 : vector<16xf32> to vector<16xf32>
      tpu.vector_store %arg6[%swap3A_188], %swap3A_191 {strides = array<i32>} : memref<32768xf32, #tpu.memory_space<vmem>>, vector<16xf32>,
      %mul3A_192 = arith.constant 4 : i32
      %mul3A_193 = arith.muli %scan3A_81, %mul3A_192 : i32
      %add3A_194 = arith.constant 2 : i32
      %add3A_195 = arith.addi %mul3A_193, %add3A_194 : i32
      %jit3A_196 = arith.constant 8 : i32
      %div3A_197 = arith.divsi %add3A_195, %jit3A_196 : i32
      %sign3A_198 = arith.constant 0 : i32
      %sign3A_199 = arith.cmpi sgt, %add3A_195, %sign3A_198 : i32
      %sign3A_200 = arith.extui %sign3A_199 : i1 to i32
      %sign3A_201 = arith.constant 0 : i32
      %sign3A_202 = arith.cmpi slt, %add3A_195, %sign3A_201 : i32
      %sign3A_203 = arith.extui %sign3A_202 : i1 to i32
      %sign3A_204 = arith.subi %sign3A_200, %sign3A_203 : i32
      %sign3A_205 = arith.constant 0 : i32
      %sign3A_206 = arith.cmpi sgt, %jit3A_196, %sign3A_205 : i32
      %sign3A_207 = arith.extui %sign3A_206 : i1 to i32
      %sign3A_208 = arith.constant 0 : i32
      %sign3A_209 = arith.cmpi slt, %jit3A_196, %sign3A_208 : i32
      %sign3A_210 = arith.extui %sign3A_209 : i1 to i32
      %sign3A_211 = arith.subi %sign3A_207, %sign3A_210 : i32
      %ne3A_212 = arith.cmpi ne, %sign3A_204, %sign3A_211 : i32
      %rem3A_213 = arith.remsi %add3A_195, %jit3A_196 : i32
      %ne3A_214 = arith.constant 0 : i32
      %ne3A_215 = arith.cmpi ne, %rem3A_213, %ne3A_214 : i32
      %and3A_216 = arith.andi %ne3A_212, %ne3A_215 : i1
      %sub3A_217 = arith.constant 1 : i32
      %sub3A_218 = arith.subi %div3A_197, %sub3A_217 : i32
      %select_n3A_219 = arith.select %and3A_216, %sub3A_218, %div3A_197 : i32
      %mul3A_220 = arith.constant 256 : i32
      %mul3A_221 = arith.muli %mul3A_220, %select_n3A_219 : i32
      %jit3A_222 = arith.constant 8 : i32
      %eq3A_223 = arith.constant 0 : i32
      %eq3A_224 = arith.cmpi eq, %jit3A_222, %eq3A_223 : i32
      %jit3A_225 = arith.constant 1 : i32
      %select_n3A_226 = arith.select %eq3A_224, %jit3A_225, %jit3A_222 : i32
      %rem3A_227 = arith.remsi %add3A_195, %select_n3A_226 : i32
      %ne3A_228 = arith.constant 0 : i32
      %ne3A_229 = arith.cmpi ne, %rem3A_227, %ne3A_228 : i32
      %lt3A_230 = arith.constant 0 : i32
      %lt3A_231 = arith.cmpi slt, %rem3A_227, %lt3A_230 : i32
      %lt3A_232 = arith.constant 0 : i32
      %lt3A_233 = arith.cmpi slt, %select_n3A_226, %lt3A_232 : i32
      %ne3A_234 = arith.xori %lt3A_231, %lt3A_233 : i1
      %and3A_235 = arith.andi %ne3A_234, %ne3A_229 : i1
      %add3A_236 = arith.addi %rem3A_227, %select_n3A_226 : i32
      %select_n3A_237 = arith.select %and3A_235, %add3A_236, %rem3A_227 : i32
      %mul3A_238 = arith.constant 16 : i32
      %mul3A_239 = arith.muli %mul3A_238, %select_n3A_237 : i32
      %add3A_240 = arith.addi %mul3A_221, %mul3A_239 : i32
      %get3A_241 = arith.index_cast %add3A_240 : i32 to index
      %get3A_242 = tpu.vector_load %arg6[%get3A_241] {strides = array<i32>} : memref<32768xf32, #tpu.memory_space<vmem>>, vector<16xf32>,
      %get3A_243 = vector.shape_cast %get3A_242 : vector<16xf32> to vector<16xf32>
      %sub3A_244 = arith.constant 1.000000e+00 : f32
      %sub3A_245 = vector.broadcast %sub3A_244 : f32 to vector<16xf32>
      %sub3A_246 = arith.subf %sub3A_245, %get3A_243 : vector<16xf32>
      %add3A_247 = arith.constant 128 : i32
      %add3A_248 = arith.addi %add3A_240, %add3A_247 : i32
      %swap3A_249 = arith.index_cast %add3A_248 : i32 to index
      %swap3A_250 = tpu.vector_load %arg6[%swap3A_249] {strides = array<i32>} : memref<32768xf32, #tpu.memory_space<vmem>>, vector<16xf32>,
      %swap3A_251 = vector.shape_cast %swap3A_250 : vector<16xf32> to vector<16xf32>
      %swap3A_252 = vector.shape_cast %sub3A_246 : vector<16xf32> to vector<16xf32>
      tpu.vector_store %arg6[%swap3A_249], %swap3A_252 {strides = array<i32>} : memref<32768xf32, #tpu.memory_space<vmem>>, vector<16xf32>,
      %mul3A_253 = arith.constant 4 : i32
      %mul3A_254 = arith.muli %scan3A_81, %mul3A_253 : i32
      %add3A_255 = arith.constant 3 : i32
      %add3A_256 = arith.addi %mul3A_254, %add3A_255 : i32
      %jit3A_257 = arith.constant 8 : i32
      %div3A_258 = arith.divsi %add3A_256, %jit3A_257 : i32
      %sign3A_259 = arith.constant 0 : i32
      %sign3A_260 = arith.cmpi sgt, %add3A_256, %sign3A_259 : i32
      %sign3A_261 = arith.extui %sign3A_260 : i1 to i32
      %sign3A_262 = arith.constant 0 : i32
      %sign3A_263 = arith.cmpi slt, %add3A_256, %sign3A_262 : i32
      %sign3A_264 = arith.extui %sign3A_263 : i1 to i32
      %sign3A_265 = arith.subi %sign3A_261, %sign3A_264 : i32
      %sign3A_266 = arith.constant 0 : i32
      %sign3A_267 = arith.cmpi sgt, %jit3A_257, %sign3A_266 : i32
      %sign3A_268 = arith.extui %sign3A_267 : i1 to i32
      %sign3A_269 = arith.constant 0 : i32
      %sign3A_270 = arith.cmpi slt, %jit3A_257, %sign3A_269 : i32
      %sign3A_271 = arith.extui %sign3A_270 : i1 to i32
      %sign3A_272 = arith.subi %sign3A_268, %sign3A_271 : i32
      %ne3A_273 = arith.cmpi ne, %sign3A_265, %sign3A_272 : i32
      %rem3A_274 = arith.remsi %add3A_256, %jit3A_257 : i32
      %ne3A_275 = arith.constant 0 : i32
      %ne3A_276 = arith.cmpi ne, %rem3A_274, %ne3A_275 : i32
      %and3A_277 = arith.andi %ne3A_273, %ne3A_276 : i1
      %sub3A_278 = arith.constant 1 : i32
      %sub3A_279 = arith.subi %div3A_258, %sub3A_278 : i32
      %select_n3A_280 = arith.select %and3A_277, %sub3A_279, %div3A_258 : i32
      %mul3A_281 = arith.constant 256 : i32
      %mul3A_282 = arith.muli %mul3A_281, %select_n3A_280 : i32
      %jit3A_283 = arith.constant 8 : i32
      %eq3A_284 = arith.constant 0 : i32
      %eq3A_285 = arith.cmpi eq, %jit3A_283, %eq3A_284 : i32
      %jit3A_286 = arith.constant 1 : i32
      %select_n3A_287 = arith.select %eq3A_285, %jit3A_286, %jit3A_283 : i32
      %rem3A_288 = arith.remsi %add3A_256, %select_n3A_287 : i32
      %ne3A_289 = arith.constant 0 : i32
      %ne3A_290 = arith.cmpi ne, %rem3A_288, %ne3A_289 : i32
      %lt3A_291 = arith.constant 0 : i32
      %lt3A_292 = arith.cmpi slt, %rem3A_288, %lt3A_291 : i32
      %lt3A_293 = arith.constant 0 : i32
      %lt3A_294 = arith.cmpi slt, %select_n3A_287, %lt3A_293 : i32
      %ne3A_295 = arith.xori %lt3A_292, %lt3A_294 : i1
      %and3A_296 = arith.andi %ne3A_295, %ne3A_290 : i1
      %add3A_297 = arith.addi %rem3A_288, %select_n3A_287 : i32
      %select_n3A_298 = arith.select %and3A_296, %add3A_297, %rem3A_288 : i32
      %mul3A_299 = arith.constant 16 : i32
      %mul3A_300 = arith.muli %mul3A_299, %select_n3A_298 : i32
      %add3A_301 = arith.addi %mul3A_282, %mul3A_300 : i32
      %get3A_302 = arith.index_cast %add3A_301 : i32 to index
      %get3A_303 = tpu.vector_load %arg6[%get3A_302] {strides = array<i32>} : memref<32768xf32, #tpu.memory_space<vmem>>, vector<16xf32>,
      %get3A_304 = vector.shape_cast %get3A_303 : vector<16xf32> to vector<16xf32>
      %sub3A_305 = arith.constant 1.000000e+00 : f32
      %sub3A_306 = vector.broadcast %sub3A_305 : f32 to vector<16xf32>
      %sub3A_307 = arith.subf %sub3A_306, %get3A_304 : vector<16xf32>
      %add3A_308 = arith.constant 128 : i32
      %add3A_309 = arith.addi %add3A_301, %add3A_308 : i32
      %swap3A_310 = arith.index_cast %add3A_309 : i32 to index
      %swap3A_311 = tpu.vector_load %arg6[%swap3A_310] {strides = array<i32>} : memref<32768xf32, #tpu.memory_space<vmem>>, vector<16xf32>,
      %swap3A_312 = vector.shape_cast %swap3A_311 : vector<16xf32> to vector<16xf32>
      %swap3A_313 = vector.shape_cast %sub3A_307 : vector<16xf32> to vector<16xf32>
      tpu.vector_store %arg6[%swap3A_310], %swap3A_313 {strides = array<i32>} : memref<32768xf32, #tpu.memory_space<vmem>>, vector<16xf32>,
    }
    %scan3A_78 = arith.constant 64 : i32
    %mul3A_79 = arith.constant 32768 : i32
    %mul3A_80 = arith.muli %add3A, %mul3A_79 : i32
    "tpu.region"() ({
      %run_scoped3A = tpu.sem_alloc : memref<!tpu.dma_semaphore, #tpu.memory_space<semaphore_mem>>
      %dma_start3A = tpu.memref_slice %arg4[%mul3A_80] : memref<1048576xf32, #tpu.memory_space<hbm>> -> memref<32768xf32, #tpu.memory_space<hbm>>
      %dma_start3A_81 = tpu.memref_slice %arg4[%mul3A_80] : memref<1048576xf32, #tpu.memory_space<hbm>> -> memref<32768xf32, #tpu.memory_space<hbm>>
      tpu.enqueue_dma source(%arg6 : memref<32768xf32, #tpu.memory_space<vmem>>) target(%dma_start3A_81 : memref<32768xf32, #tpu.memory_space<hbm>>) target_semaphore(%run_scoped3A : memref<!tpu.dma_semaphore, #tpu.memory_space<semaphore_mem>>)
      %dma_wait3A_82 = tpu.memref_slice %arg4[%mul3A_80] : memref<1048576xf32, #tpu.memory_space<hbm>> -> memref<32768xf32, #tpu.memory_space<hbm>>
      %dma_wait3A_83 = tpu.memref_slice %arg4[%mul3A_80] : memref<1048576xf32, #tpu.memory_space<hbm>> -> memref<32768xf32, #tpu.memory_space<hbm>>
      tpu.wait_dma2 semaphore(%run_scoped3A : memref<!tpu.dma_semaphore, #tpu.memory_space<semaphore_mem>>) src(%arg6 : memref<32768xf32, #tpu.memory_space<vmem>>) dst(%dma_wait3A_83 : memref<32768xf32, #tpu.memory_space<hbm>>)
      tpu.yield
    }) : () -> ()
    return
  }
}

module attributes {stable_mosaic.version = 14 : i64} {
  func.func @_prep_body(%arg0: memref<1024x32xf32, #tpu.memory_space<vmem>>, %arg1: memref<1024x3xf32, #tpu.memory_space<vmem>>, %arg2: memref<3x1024xf32, #tpu.memory_space<vmem>>, %arg3: memref<70x64xf32, #tpu.memory_space<vmem>>, %arg4: memref<192x32xf32, #tpu.memory_space<vmem>>, %arg5: memref<1x128xf32, #tpu.memory_space<vmem>>, %arg6: memref<1024x32xf32, #tpu.memory_space<vmem>>, %arg7: memref<32x1024xf32, #tpu.memory_space<vmem>>) attributes {dimension_semantics = [], scalar_prefetch = 0 : i64, scratch_operands = 0 : i64, tpu.core_type = #tpu.core_type<tc>} {
    %get3A = arith.constant 0 : index
    %get3A_0 = arith.constant 0 : index
    %get3A_1 = vector.load %arg0[%get3A, %get3A_0] : memref<1024x32xf32, #tpu.memory_space<vmem>>, vector<1024x32xf32>
    %get3A_2 = arith.constant 0 : index
    %get3A_3 = arith.constant 0 : index
    %get3A_4 = vector.load %arg1[%get3A_2, %get3A_3] : memref<1024x3xf32, #tpu.memory_space<vmem>>, vector<1024x3xf32>
    %get3A_5 = arith.constant 0 : index
    %get3A_6 = arith.constant 0 : index
    %get3A_7 = vector.load %arg2[%get3A_5, %get3A_6] : memref<3x1024xf32, #tpu.memory_space<vmem>>, vector<3x1024xf32>
    %mul3A = arith.mulf %get3A_1, %get3A_1 : vector<1024x32xf32>
    %reduce_sum3A = arith.constant dense<0.000000e+00> : vector<1024xf32>
    %reduce_sum3A_8 = vector.multi_reduction <add>, %mul3A, %reduce_sum3A [1] : vector<1024x32xf32> to vector<1024xf32>
    %broadcast_in_dim3A = vector.shape_cast %reduce_sum3A_8 : vector<1024xf32> to vector<1024x1xf32>
    %sqrt3A = math.sqrt %broadcast_in_dim3A : vector<1024x1xf32>
    %div3A = vector.broadcast %sqrt3A : vector<1024x1xf32> to vector<1024x32xf32>
    %div3A_9 = arith.divf %get3A_1, %div3A : vector<1024x32xf32>
    %mul3A_10 = arith.mulf %get3A_1, %div3A_9 : vector<1024x32xf32>
    %broadcast_in_dim3A_11 = arith.constant 0.000000e+00 : f32
    %broadcast_in_dim3A_12 = vector.broadcast %broadcast_in_dim3A_11 : f32 to vector<1x32xf32>
    %slice3A = vector.extract_strided_slice %mul3A_10 {offsets = [0, 0], sizes = [1023, 32], strides = [1, 1]} : vector<1024x32xf32> to vector<1023x32xf32>
    %concatenate3A = tpu.concatenate %broadcast_in_dim3A_12, %slice3A in 0 : vector<1x32xf32>, vector<1023x32xf32> -> vector<1024x32xf32>
    %add3A = arith.addf %mul3A_10, %concatenate3A : vector<1024x32xf32>
    %broadcast_in_dim3A_13 = arith.constant 0.000000e+00 : f32
    %broadcast_in_dim3A_14 = vector.broadcast %broadcast_in_dim3A_13 : f32 to vector<2x32xf32>
    %slice3A_15 = vector.extract_strided_slice %add3A {offsets = [0, 0], sizes = [1022, 32], strides = [1, 1]} : vector<1024x32xf32> to vector<1022x32xf32>
    %concatenate3A_16 = tpu.concatenate %broadcast_in_dim3A_14, %slice3A_15 in 0 : vector<2x32xf32>, vector<1022x32xf32> -> vector<1024x32xf32>
    %add3A_17 = arith.addf %add3A, %concatenate3A_16 : vector<1024x32xf32>
    %broadcast_in_dim3A_18 = arith.constant 0.000000e+00 : f32
    %broadcast_in_dim3A_19 = vector.broadcast %broadcast_in_dim3A_18 : f32 to vector<4x32xf32>
    %slice3A_20 = vector.extract_strided_slice %add3A_17 {offsets = [0, 0], sizes = [1020, 32], strides = [1, 1]} : vector<1024x32xf32> to vector<1020x32xf32>
    %concatenate3A_21 = tpu.concatenate %broadcast_in_dim3A_19, %slice3A_20 in 0 : vector<4x32xf32>, vector<1020x32xf32> -> vector<1024x32xf32>
    %add3A_22 = arith.addf %add3A_17, %concatenate3A_21 : vector<1024x32xf32>
    %broadcast_in_dim3A_23 = arith.constant 0.000000e+00 : f32
    %broadcast_in_dim3A_24 = vector.broadcast %broadcast_in_dim3A_23 : f32 to vector<8x32xf32>
    %slice3A_25 = vector.extract_strided_slice %add3A_22 {offsets = [0, 0], sizes = [1016, 32], strides = [1, 1]} : vector<1024x32xf32> to vector<1016x32xf32>
    %concatenate3A_26 = tpu.concatenate %broadcast_in_dim3A_24, %slice3A_25 in 0 : vector<8x32xf32>, vector<1016x32xf32> -> vector<1024x32xf32>
    %add3A_27 = arith.addf %add3A_22, %concatenate3A_26 : vector<1024x32xf32>
    %broadcast_in_dim3A_28 = arith.constant 0.000000e+00 : f32
    %broadcast_in_dim3A_29 = vector.broadcast %broadcast_in_dim3A_28 : f32 to vector<16x32xf32>
    %slice3A_30 = vector.extract_strided_slice %add3A_27 {offsets = [0, 0], sizes = [1008, 32], strides = [1, 1]} : vector<1024x32xf32> to vector<1008x32xf32>
    %concatenate3A_31 = tpu.concatenate %broadcast_in_dim3A_29, %slice3A_30 in 0 : vector<16x32xf32>, vector<1008x32xf32> -> vector<1024x32xf32>
    %add3A_32 = arith.addf %add3A_27, %concatenate3A_31 : vector<1024x32xf32>
    %broadcast_in_dim3A_33 = arith.constant 0.000000e+00 : f32
    %broadcast_in_dim3A_34 = vector.broadcast %broadcast_in_dim3A_33 : f32 to vector<32x32xf32>
    %slice3A_35 = vector.extract_strided_slice %add3A_32 {offsets = [0, 0], sizes = [992, 32], strides = [1, 1]} : vector<1024x32xf32> to vector<992x32xf32>
    %concatenate3A_36 = tpu.concatenate %broadcast_in_dim3A_34, %slice3A_35 in 0 : vector<32x32xf32>, vector<992x32xf32> -> vector<1024x32xf32>
    %add3A_37 = arith.addf %add3A_32, %concatenate3A_36 : vector<1024x32xf32>
    %broadcast_in_dim3A_38 = arith.constant 0.000000e+00 : f32
    %broadcast_in_dim3A_39 = vector.broadcast %broadcast_in_dim3A_38 : f32 to vector<64x32xf32>
    %slice3A_40 = vector.extract_strided_slice %add3A_37 {offsets = [0, 0], sizes = [960, 32], strides = [1, 1]} : vector<1024x32xf32> to vector<960x32xf32>
    %concatenate3A_41 = tpu.concatenate %broadcast_in_dim3A_39, %slice3A_40 in 0 : vector<64x32xf32>, vector<960x32xf32> -> vector<1024x32xf32>
    %add3A_42 = arith.addf %add3A_37, %concatenate3A_41 : vector<1024x32xf32>
    %broadcast_in_dim3A_43 = arith.constant 0.000000e+00 : f32
    %broadcast_in_dim3A_44 = vector.broadcast %broadcast_in_dim3A_43 : f32 to vector<128x32xf32>
    %slice3A_45 = vector.extract_strided_slice %add3A_42 {offsets = [0, 0], sizes = [896, 32], strides = [1, 1]} : vector<1024x32xf32> to vector<896x32xf32>
    %concatenate3A_46 = tpu.concatenate %broadcast_in_dim3A_44, %slice3A_45 in 0 : vector<128x32xf32>, vector<896x32xf32> -> vector<1024x32xf32>
    %add3A_47 = arith.addf %add3A_42, %concatenate3A_46 : vector<1024x32xf32>
    %broadcast_in_dim3A_48 = arith.constant 0.000000e+00 : f32
    %broadcast_in_dim3A_49 = vector.broadcast %broadcast_in_dim3A_48 : f32 to vector<256x32xf32>
    %slice3A_50 = vector.extract_strided_slice %add3A_47 {offsets = [0, 0], sizes = [768, 32], strides = [1, 1]} : vector<1024x32xf32> to vector<768x32xf32>
    %concatenate3A_51 = tpu.concatenate %broadcast_in_dim3A_49, %slice3A_50 in 0 : vector<256x32xf32>, vector<768x32xf32> -> vector<1024x32xf32>
    %add3A_52 = arith.addf %add3A_47, %concatenate3A_51 : vector<1024x32xf32>
    %broadcast_in_dim3A_53 = arith.constant 0.000000e+00 : f32
    %broadcast_in_dim3A_54 = vector.broadcast %broadcast_in_dim3A_53 : f32 to vector<512x32xf32>
    %slice3A_55 = vector.extract_strided_slice %add3A_52 {offsets = [0, 0], sizes = [512, 32], strides = [1, 1]} : vector<1024x32xf32> to vector<512x32xf32>
    %concatenate3A_56 = tpu.concatenate %broadcast_in_dim3A_54, %slice3A_55 in 0 : vector<512x32xf32>, vector<512x32xf32> -> vector<1024x32xf32>
    %add3A_57 = arith.addf %add3A_52, %concatenate3A_56 : vector<1024x32xf32>
    %sub3A = arith.subf %add3A_57, %mul3A_10 : vector<1024x32xf32>
    %iota3A = tpu.iota {dimensions = array<i32: 0>} : vector<1024x1xi32>
    %convert_element_type3A = arith.sitofp %iota3A : vector<1024x1xi32> to vector<1024x1xf32>
    %max3A = arith.constant 1.000000e+00 : f32
    %max3A_58 = vector.broadcast %max3A : f32 to vector<1024x1xf32>
    %max3A_59 = arith.maximumf %convert_element_type3A, %max3A_58 : vector<1024x1xf32>
    %mul3A_60 = arith.mulf %div3A_9, %sub3A : vector<1024x32xf32>
    %div3A_61 = vector.broadcast %max3A_59 : vector<1024x1xf32> to vector<1024x32xf32>
    %div3A_62 = arith.divf %mul3A_60, %div3A_61 : vector<1024x32xf32>
    %iota3A_63 = tpu.iota {dimensions = array<i32: 0>} : vector<1024x1xi32>
    %iota3A_64 = tpu.iota {dimensions = array<i32: 1>} : vector<1x1024xi32>
    %lt3A = vector.broadcast %iota3A_63 : vector<1024x1xi32> to vector<1024x1024xi32>
    %lt3A_65 = vector.broadcast %iota3A_64 : vector<1x1024xi32> to vector<1024x1024xi32>
    %lt3A_66 = arith.cmpi slt, %lt3A, %lt3A_65 : vector<1024x1024xi32>
    %convert_element_type3A_67 = arith.extui %lt3A_66 : vector<1024x1024xi1> to vector<1024x1024xi32>
    %convert_element_type3A_68 = arith.sitofp %convert_element_type3A_67 : vector<1024x1024xi32> to vector<1024x1024xf32>
    %broadcast_in_dim3A_69 = vector.shape_cast %get3A_7 : vector<3x1024xf32> to vector<3x1024x1xf32>
    %broadcast_in_dim3A_70 = vector.shape_cast %get3A_7 : vector<3x1024xf32> to vector<3x1x1024xf32>
    %sub3A_71 = vector.broadcast %broadcast_in_dim3A_69 : vector<3x1024x1xf32> to vector<3x1024x1024xf32>
    %sub3A_72 = vector.broadcast %broadcast_in_dim3A_70 : vector<3x1x1024xf32> to vector<3x1024x1024xf32>
    %sub3A_73 = arith.subf %sub3A_71, %sub3A_72 : vector<3x1024x1024xf32>
    %abs3A = math.absf %sub3A_73 : vector<3x1024x1024xf32>
    %broadcast_in_dim3A_74 = vector.shape_cast %convert_element_type3A_68 : vector<1024x1024xf32> to vector<1x1024x1024xf32>
    %mul3A_75 = vector.broadcast %broadcast_in_dim3A_74 : vector<1x1024x1024xf32> to vector<3x1024x1024xf32>
    %mul3A_76 = vector.broadcast %broadcast_in_dim3A_69 : vector<3x1024x1xf32> to vector<3x1024x1024xf32>
    %mul3A_77 = arith.mulf %mul3A_75, %mul3A_76 : vector<3x1024x1024xf32>
    %mul3A_78 = arith.mulf %abs3A, %mul3A_77 : vector<3x1024x1024xf32>
    %reduce_sum3A_79 = arith.constant dense<0.000000e+00> : vector<3x1024xf32>
    %reduce_sum3A_80 = vector.multi_reduction <add>, %mul3A_78, %reduce_sum3A_79 [1] : vector<3x1024x1024xf32> to vector<3x1024xf32>
    %iota3A_81 = tpu.iota {dimensions = array<i32: 1>} : vector<1x1024xi32>
    %convert_element_type3A_82 = arith.sitofp %iota3A_81 : vector<1x1024xi32> to vector<1x1024xf32>
    %max3A_83 = arith.constant 1.000000e+00 : f32
    %max3A_84 = vector.broadcast %max3A_83 : f32 to vector<1x1024xf32>
    %max3A_85 = arith.maximumf %convert_element_type3A_82, %max3A_84 : vector<1x1024xf32>
    %div3A_86 = vector.broadcast %max3A_85 : vector<1x1024xf32> to vector<3x1024xf32>
    %div3A_87 = arith.divf %reduce_sum3A_80, %div3A_86 : vector<3x1024xf32>
    %transpose3A = tpu.transpose %div3A_87, [1, 0] : vector<3x1024xf32> -> vector<1024x3xf32>
    %get3A_88 = arith.constant 0 : index
    %get3A_89 = arith.constant 0 : index
    %get3A_90 = vector.load %arg4[%get3A_88, %get3A_89] : memref<192x32xf32, #tpu.memory_space<vmem>>, vector<192x32xf32>
    %get3A_91 = arith.constant 0 : index
    %get3A_92 = arith.constant 0 : index
    %get3A_93 = vector.load %arg5[%get3A_91, %get3A_92] : memref<1x128xf32, #tpu.memory_space<vmem>>, vector<1x128xf32>
    %concatenate3A_94 = tpu.concatenate %get3A_1, %get3A_4, %div3A_62, %transpose3A in 1 : vector<1024x32xf32>, vector<1024x3xf32>, vector<1024x32xf32>, vector<1024x3xf32> -> vector<1024x70xf32>
    %get3A_95 = arith.constant 0 : index
    %get3A_96 = arith.constant 0 : index
    %get3A_97 = vector.load %arg3[%get3A_95, %get3A_96] : memref<70x64xf32, #tpu.memory_space<vmem>>, vector<70x64xf32>
    %dot_general3A = arith.constant dense<0.000000e+00> : vector<1024x64xf32>
    %dot_general3A_98 = tpu.matmul %concatenate3A_94, %get3A_97, %dot_general3A {dimension_numbers = #tpu.dot_dimension_numbers<[1], [0], [0], [1], [0, 0, 1, 1], [], []>, precision = #tpu.contract_precision<fp32>, transpose_lhs_hint = false} : vector<1024x70xf32>, vector<70x64xf32>, vector<1024x64xf32> -> vector<1024x64xf32>
    %slice3A_99 = vector.extract_strided_slice %get3A_93 {offsets = [0, 0], sizes = [1, 64], strides = [1, 1]} : vector<1x128xf32> to vector<1x64xf32>
    %add3A_100 = vector.broadcast %slice3A_99 : vector<1x64xf32> to vector<1024x64xf32>
    %add3A_101 = arith.addf %dot_general3A_98, %add3A_100 : vector<1024x64xf32>
    %slice3A_102 = vector.extract_strided_slice %get3A_90 {offsets = [64, 0], sizes = [64, 32], strides = [1, 1]} : vector<192x32xf32> to vector<64x32xf32>
    %dot_general3A_103 = arith.constant dense<0.000000e+00> : vector<1024x32xf32>
    %dot_general3A_104 = tpu.matmul %add3A_101, %slice3A_102, %dot_general3A_103 {dimension_numbers = #tpu.dot_dimension_numbers<[1], [0], [0], [1], [0, 0, 1, 1], [], []>, precision = #tpu.contract_precision<fp32>, transpose_lhs_hint = false} : vector<1024x64xf32>, vector<64x32xf32>, vector<1024x32xf32> -> vector<1024x32xf32>
    %broadcast_in_dim3A_105 = arith.constant 0.000000e+00 : f32
    %broadcast_in_dim3A_106 = vector.broadcast %broadcast_in_dim3A_105 : f32 to vector<1x32xf32>
    %slice3A_107 = vector.extract_strided_slice %dot_general3A_104 {offsets = [0, 0], sizes = [1023, 32], strides = [1, 1]} : vector<1024x32xf32> to vector<1023x32xf32>
    %concatenate3A_108 = tpu.concatenate %broadcast_in_dim3A_106, %slice3A_107 in 0 : vector<1x32xf32>, vector<1023x32xf32> -> vector<1024x32xf32>
    %add3A_109 = arith.addf %dot_general3A_104, %concatenate3A_108 : vector<1024x32xf32>
    %broadcast_in_dim3A_110 = arith.constant 0.000000e+00 : f32
    %broadcast_in_dim3A_111 = vector.broadcast %broadcast_in_dim3A_110 : f32 to vector<2x32xf32>
    %slice3A_112 = vector.extract_strided_slice %add3A_109 {offsets = [0, 0], sizes = [1022, 32], strides = [1, 1]} : vector<1024x32xf32> to vector<1022x32xf32>
    %concatenate3A_113 = tpu.concatenate %broadcast_in_dim3A_111, %slice3A_112 in 0 : vector<2x32xf32>, vector<1022x32xf32> -> vector<1024x32xf32>
    %add3A_114 = arith.addf %add3A_109, %concatenate3A_113 : vector<1024x32xf32>
    %broadcast_in_dim3A_115 = arith.constant 0.000000e+00 : f32
    %broadcast_in_dim3A_116 = vector.broadcast %broadcast_in_dim3A_115 : f32 to vector<4x32xf32>
    %slice3A_117 = vector.extract_strided_slice %add3A_114 {offsets = [0, 0], sizes = [1020, 32], strides = [1, 1]} : vector<1024x32xf32> to vector<1020x32xf32>
    %concatenate3A_118 = tpu.concatenate %broadcast_in_dim3A_116, %slice3A_117 in 0 : vector<4x32xf32>, vector<1020x32xf32> -> vector<1024x32xf32>
    %add3A_119 = arith.addf %add3A_114, %concatenate3A_118 : vector<1024x32xf32>
    %broadcast_in_dim3A_120 = arith.constant 0.000000e+00 : f32
    %broadcast_in_dim3A_121 = vector.broadcast %broadcast_in_dim3A_120 : f32 to vector<8x32xf32>
    %slice3A_122 = vector.extract_strided_slice %add3A_119 {offsets = [0, 0], sizes = [1016, 32], strides = [1, 1]} : vector<1024x32xf32> to vector<1016x32xf32>
    %concatenate3A_123 = tpu.concatenate %broadcast_in_dim3A_121, %slice3A_122 in 0 : vector<8x32xf32>, vector<1016x32xf32> -> vector<1024x32xf32>
    %add3A_124 = arith.addf %add3A_119, %concatenate3A_123 : vector<1024x32xf32>
    %broadcast_in_dim3A_125 = arith.constant 0.000000e+00 : f32
    %broadcast_in_dim3A_126 = vector.broadcast %broadcast_in_dim3A_125 : f32 to vector<16x32xf32>
    %slice3A_127 = vector.extract_strided_slice %add3A_124 {offsets = [0, 0], sizes = [1008, 32], strides = [1, 1]} : vector<1024x32xf32> to vector<1008x32xf32>
    %concatenate3A_128 = tpu.concatenate %broadcast_in_dim3A_126, %slice3A_127 in 0 : vector<16x32xf32>, vector<1008x32xf32> -> vector<1024x32xf32>
    %add3A_129 = arith.addf %add3A_124, %concatenate3A_128 : vector<1024x32xf32>
    %broadcast_in_dim3A_130 = arith.constant 0.000000e+00 : f32
    %broadcast_in_dim3A_131 = vector.broadcast %broadcast_in_dim3A_130 : f32 to vector<32x32xf32>
    %slice3A_132 = vector.extract_strided_slice %add3A_129 {offsets = [0, 0], sizes = [992, 32], strides = [1, 1]} : vector<1024x32xf32> to vector<992x32xf32>
    %concatenate3A_133 = tpu.concatenate %broadcast_in_dim3A_131, %slice3A_132 in 0 : vector<32x32xf32>, vector<992x32xf32> -> vector<1024x32xf32>
    %add3A_134 = arith.addf %add3A_129, %concatenate3A_133 : vector<1024x32xf32>
    %broadcast_in_dim3A_135 = arith.constant 0.000000e+00 : f32
    %broadcast_in_dim3A_136 = vector.broadcast %broadcast_in_dim3A_135 : f32 to vector<64x32xf32>
    %slice3A_137 = vector.extract_strided_slice %add3A_134 {offsets = [0, 0], sizes = [960, 32], strides = [1, 1]} : vector<1024x32xf32> to vector<960x32xf32>
    %concatenate3A_138 = tpu.concatenate %broadcast_in_dim3A_136, %slice3A_137 in 0 : vector<64x32xf32>, vector<960x32xf32> -> vector<1024x32xf32>
    %add3A_139 = arith.addf %add3A_134, %concatenate3A_138 : vector<1024x32xf32>
    %broadcast_in_dim3A_140 = arith.constant 0.000000e+00 : f32
    %broadcast_in_dim3A_141 = vector.broadcast %broadcast_in_dim3A_140 : f32 to vector<128x32xf32>
    %slice3A_142 = vector.extract_strided_slice %add3A_139 {offsets = [0, 0], sizes = [896, 32], strides = [1, 1]} : vector<1024x32xf32> to vector<896x32xf32>
    %concatenate3A_143 = tpu.concatenate %broadcast_in_dim3A_141, %slice3A_142 in 0 : vector<128x32xf32>, vector<896x32xf32> -> vector<1024x32xf32>
    %add3A_144 = arith.addf %add3A_139, %concatenate3A_143 : vector<1024x32xf32>
    %broadcast_in_dim3A_145 = arith.constant 0.000000e+00 : f32
    %broadcast_in_dim3A_146 = vector.broadcast %broadcast_in_dim3A_145 : f32 to vector<256x32xf32>
    %slice3A_147 = vector.extract_strided_slice %add3A_144 {offsets = [0, 0], sizes = [768, 32], strides = [1, 1]} : vector<1024x32xf32> to vector<768x32xf32>
    %concatenate3A_148 = tpu.concatenate %broadcast_in_dim3A_146, %slice3A_147 in 0 : vector<256x32xf32>, vector<768x32xf32> -> vector<1024x32xf32>
    %add3A_149 = arith.addf %add3A_144, %concatenate3A_148 : vector<1024x32xf32>
    %broadcast_in_dim3A_150 = arith.constant 0.000000e+00 : f32
    %broadcast_in_dim3A_151 = vector.broadcast %broadcast_in_dim3A_150 : f32 to vector<512x32xf32>
    %slice3A_152 = vector.extract_strided_slice %add3A_149 {offsets = [0, 0], sizes = [512, 32], strides = [1, 1]} : vector<1024x32xf32> to vector<512x32xf32>
    %concatenate3A_153 = tpu.concatenate %broadcast_in_dim3A_151, %slice3A_152 in 0 : vector<512x32xf32>, vector<512x32xf32> -> vector<1024x32xf32>
    %add3A_154 = arith.addf %add3A_149, %concatenate3A_153 : vector<1024x32xf32>
    %sub3A_155 = arith.subf %add3A_154, %dot_general3A_104 : vector<1024x32xf32>
    %div3A_156 = vector.broadcast %max3A_59 : vector<1024x1xf32> to vector<1024x32xf32>
    %div3A_157 = arith.divf %sub3A_155, %div3A_156 : vector<1024x32xf32>
    %slice3A_158 = vector.extract_strided_slice %get3A_90 {offsets = [0, 0], sizes = [64, 32], strides = [1, 1]} : vector<192x32xf32> to vector<64x32xf32>
    %dot_general3A_159 = arith.constant dense<0.000000e+00> : vector<1024x32xf32>
    %dot_general3A_160 = tpu.matmul %add3A_101, %slice3A_158, %dot_general3A_159 {dimension_numbers = #tpu.dot_dimension_numbers<[1], [0], [0], [1], [0, 0, 1, 1], [], []>, precision = #tpu.contract_precision<fp32>, transpose_lhs_hint = false} : vector<1024x64xf32>, vector<64x32xf32>, vector<1024x32xf32> -> vector<1024x32xf32>
    %add3A_161 = arith.addf %dot_general3A_160, %div3A_157 : vector<1024x32xf32>
    %slice3A_162 = vector.extract_strided_slice %get3A_93 {offsets = [0, 64], sizes = [1, 32], strides = [1, 1]} : vector<1x128xf32> to vector<1x32xf32>
    %add3A_163 = vector.broadcast %slice3A_162 : vector<1x32xf32> to vector<1024x32xf32>
    %add3A_164 = arith.addf %add3A_161, %add3A_163 : vector<1024x32xf32>
    %slice3A_165 = vector.extract_strided_slice %get3A_90 {offsets = [128, 0], sizes = [32, 32], strides = [1, 1]} : vector<192x32xf32> to vector<32x32xf32>
    %dot_general3A_166 = arith.constant dense<0.000000e+00> : vector<1024x32xf32>
    %dot_general3A_167 = tpu.matmul %add3A_164, %slice3A_165, %dot_general3A_166 {dimension_numbers = #tpu.dot_dimension_numbers<[1], [0], [0], [1], [0, 0, 1, 1], [], []>, precision = #tpu.contract_precision<fp32>, transpose_lhs_hint = false} : vector<1024x32xf32>, vector<32x32xf32>, vector<1024x32xf32> -> vector<1024x32xf32>
    %slice3A_168 = vector.extract_strided_slice %get3A_93 {offsets = [0, 96], sizes = [1, 32], strides = [1, 1]} : vector<1x128xf32> to vector<1x32xf32>
    %add3A_169 = vector.broadcast %slice3A_168 : vector<1x32xf32> to vector<1024x32xf32>
    %add3A_170 = arith.addf %dot_general3A_167, %add3A_169 : vector<1024x32xf32>
    %swap3A = arith.constant 0 : index
    %swap3A_171 = arith.constant 0 : index
    %swap3A_172 = vector.load %arg6[%swap3A, %swap3A_171] : memref<1024x32xf32, #tpu.memory_space<vmem>>, vector<1024x32xf32>
    tpu.vector_store %arg6[%swap3A, %swap3A_171], %add3A_170 {strides = array<i32>} : memref<1024x32xf32, #tpu.memory_space<vmem>>, vector<1024x32xf32>,
    %slice3A_173 = vector.extract_strided_slice %get3A_90 {offsets = [160, 0], sizes = [32, 32], strides = [1, 1]} : vector<192x32xf32> to vector<32x32xf32>
    %dot_general3A_174 = arith.constant dense<0.000000e+00> : vector<32x1024xf32>
    %dot_general3A_175 = tpu.matmul %slice3A_173, %add3A_164, %dot_general3A_174 {dimension_numbers = #tpu.dot_dimension_numbers<[0], [1], [1], [0], [0, 1, 1, 0], [], []>, precision = #tpu.contract_precision<fp32>, transpose_lhs_hint = false} : vector<32x32xf32>, vector<1024x32xf32>, vector<32x1024xf32> -> vector<32x1024xf32>
    %swap3A_176 = arith.constant 0 : index
    %swap3A_177 = arith.constant 0 : index
    %swap3A_178 = vector.load %arg7[%swap3A_176, %swap3A_177] : memref<32x1024xf32, #tpu.memory_space<vmem>>, vector<32x1024xf32>
    tpu.vector_store %arg7[%swap3A_176, %swap3A_177], %dot_general3A_175 {strides = array<i32>} : memref<32x1024xf32, #tpu.memory_space<vmem>>, vector<32x1024xf32>,
    return
  }
}

module attributes {stable_mosaic.version = 14 : i64} {
  func.func @_pairs_body(%arg0: i32, %arg1: i32, %arg2: memref<128x32xf32, #tpu.memory_space<vmem>>, %arg3: memref<32x128xf32, #tpu.memory_space<vmem>>, %arg4: memref<32x1xf32, #tpu.memory_space<vmem>>, %arg5: memref<1x1xf32, #tpu.memory_space<vmem>>, %arg6: memref<128x128xf32, #tpu.memory_space<vmem>>) attributes {dimension_semantics = [#tpu.dimension_semantics<arbitrary>, #tpu.dimension_semantics<arbitrary>], iteration_bounds = array<i64: 8, 8>, scalar_prefetch = 0 : i64, scratch_operands = 0 : i64, tpu.core_type = #tpu.core_type<tc>, window_params = [{transform_indices = @transform_0, window_bounds = array<i64: 128, 32>}, {transform_indices = @transform_1, window_bounds = array<i64: 32, 128>}, {pipeline_mode = #tpu.pipeline_mode<synchronous>, transform_indices = @transform_2, window_bounds = array<i64: 32, 1>}, {pipeline_mode = #tpu.pipeline_mode<synchronous>, transform_indices = @transform_3, window_bounds = array<i64: 1, 1>}, {transform_indices = @transform_4, window_bounds = array<i64: 128, 128>}]} {
    %ge3A = arith.cmpi sge, %arg1, %arg0 : i32
    %convert_element_type3A = arith.extui %ge3A : i1 to i32
    %cond3A = arith.constant 0 : i32
    %cond3A_0 = arith.cmpi ne, %convert_element_type3A, %cond3A : i32
    scf.if %cond3A_0 {
      %get3A = arith.constant 0 : index
      %get3A_1 = arith.constant 0 : index
      %get3A_2 = vector.load %arg2[%get3A, %get3A_1] : memref<128x32xf32, #tpu.memory_space<vmem>>, vector<128x32xf32>
      %convert_element_type3A_3 = arith.truncf %get3A_2 : vector<128x32xf32> to vector<128x32xbf16>
      %get3A_4 = arith.constant 0 : index
      %get3A_5 = arith.constant 0 : index
      %get3A_6 = vector.load %arg3[%get3A_4, %get3A_5] : memref<32x128xf32, #tpu.memory_space<vmem>>, vector<32x128xf32>
      %convert_element_type3A_7 = arith.truncf %get3A_6 : vector<32x128xf32> to vector<32x128xbf16>
      %get3A_8 = arith.constant 0 : index
      %get3A_9 = arith.constant 0 : index
      %get3A_10 = vector.load %arg4[%get3A_8, %get3A_9] : memref<32x1xf32, #tpu.memory_space<vmem>>, vector<32x1xf32>
      %convert_element_type3A_11 = arith.truncf %get3A_10 : vector<32x1xf32> to vector<32x1xbf16>
      %broadcast_in_dim3A = vector.shape_cast %convert_element_type3A_3 : vector<128x32xbf16> to vector<128x32x1xbf16>
      %broadcast_in_dim3A_12 = vector.shape_cast %convert_element_type3A_7 : vector<32x128xbf16> to vector<1x32x128xbf16>
      %add3A = vector.broadcast %broadcast_in_dim3A : vector<128x32x1xbf16> to vector<128x32x128xbf16>
      %add3A_13 = vector.broadcast %broadcast_in_dim3A_12 : vector<1x32x128xbf16> to vector<128x32x128xbf16>
      %add3A_14 = arith.addf %add3A, %add3A_13 : vector<128x32x128xbf16>
      %max3A = arith.constant 0.000000e+00 : bf16
      %max3A_15 = vector.broadcast %max3A : bf16 to vector<128x32x128xbf16>
      %max3A_16 = arith.maximumf %add3A_14, %max3A_15 : vector<128x32x128xbf16>
      %broadcast_in_dim3A_17 = vector.shape_cast %convert_element_type3A_11 : vector<32x1xbf16> to vector<1x32x1xbf16>
      %mul3A = vector.broadcast %broadcast_in_dim3A_17 : vector<1x32x1xbf16> to vector<128x32x128xbf16>
      %mul3A_18 = arith.mulf %max3A_16, %mul3A : vector<128x32x128xbf16>
      %convert_element_type3A_19 = arith.extf %mul3A_18 : vector<128x32x128xbf16> to vector<128x32x128xf32>
      %reduce_sum3A = arith.constant dense<0.000000e+00> : vector<128x128xf32>
      %reduce_sum3A_20 = vector.multi_reduction <add>, %convert_element_type3A_19, %reduce_sum3A [1] : vector<128x32x128xf32> to vector<128x128xf32>
      %get3A_21 = arith.constant 0 : index
      %get3A_22 = arith.constant 0 : index
      %get3A_23 = vector.load %arg5[%get3A_21, %get3A_22] : memref<1x1xf32, #tpu.memory_space<vmem>>, vector<1x1xf32>
      %get3A_24 = vector.extract %get3A_23[0, 0] : f32 from vector<1x1xf32>
      %add3A_25 = vector.broadcast %get3A_24 : f32 to vector<128x128xf32>
      %add3A_26 = arith.addf %reduce_sum3A_20, %add3A_25 : vector<128x128xf32>
      %mul3A_27 = arith.constant 5.000000e-01 : f32
      %mul3A_28 = vector.broadcast %mul3A_27 : f32 to vector<128x128xf32>
      %mul3A_29 = arith.mulf %mul3A_28, %add3A_26 : vector<128x128xf32>
      %tanh3A = math.tanh %mul3A_29 : vector<128x128xf32>
      %mul3A_30 = arith.constant 5.000000e-01 : f32
      %mul3A_31 = vector.broadcast %mul3A_30 : f32 to vector<128x128xf32>
      %mul3A_32 = arith.mulf %mul3A_31, %tanh3A : vector<128x128xf32>
      %add3A_33 = arith.constant 5.000000e-01 : f32
      %add3A_34 = vector.broadcast %add3A_33 : f32 to vector<128x128xf32>
      %add3A_35 = arith.addf %add3A_34, %mul3A_32 : vector<128x128xf32>
      %swap3A = arith.constant 0 : index
      %swap3A_36 = arith.constant 0 : index
      %swap3A_37 = vector.load %arg6[%swap3A, %swap3A_36] : memref<128x128xf32, #tpu.memory_space<vmem>>, vector<128x128xf32>
      tpu.vector_store %arg6[%swap3A, %swap3A_36], %add3A_35 {strides = array<i32>} : memref<128x128xf32, #tpu.memory_space<vmem>>, vector<128x128xf32>,
    } else {
    }
    return
  }
  func.func @transform_0(%arg0: i32, %arg1: i32) -> (i32, i32) {
    %c0_i32 = arith.constant 0 : i32
    %c0_i32_0 = arith.constant 0 : i32
    return %arg0, %c0_i32 : i32, i32
  }
  func.func @transform_1(%arg0: i32, %arg1: i32) -> (i32, i32) {
    %max3A = arith.maxsi %arg0, %arg1 : i32
    %c0_i32 = arith.constant 0 : i32
    %c0_i32_0 = arith.constant 0 : i32
    return %c0_i32, %max3A : i32, i32
  }
  func.func @transform_2(%arg0: i32, %arg1: i32) -> (i32, i32) {
    %c0_i32 = arith.constant 0 : i32
    %c0_i32_0 = arith.constant 0 : i32
    %c0_i32_1 = arith.constant 0 : i32
    return %c0_i32, %c0_i32_0 : i32, i32
  }
  func.func @transform_3(%arg0: i32, %arg1: i32) -> (i32, i32) {
    %c0_i32 = arith.constant 0 : i32
    %c0_i32_0 = arith.constant 0 : i32
    %c0_i32_1 = arith.constant 0 : i32
    return %c0_i32, %c0_i32_0 : i32, i32
  }
  func.func @transform_4(%arg0: i32, %arg1: i32) -> (i32, i32) {
    %max3A = arith.maxsi %arg0, %arg1 : i32
    %c0_i32 = arith.constant 0 : i32
    return %arg0, %max3A : i32, i32
  }
}

</mosaic_0001>

<sc_bundles>
// kernel: kernel.5.cloned.1.call-start
scs
__scs_entry_jumppad:
0x0: {  	(pc) =	sbr.rel $0x88, $3  }
0x1: {  	(tag) =	ssettag $0x0;
	lr =	simm.s32 $0x1  }
0x2: {  	[smem:$0x3F95] =	sst lr;
	_ =	strace $0xD0000000  }
0x3: {  	_ = 	snop  }
0x4: {  	_ = 	snop  }
0x5: {  	_ = 	snop  }
0x6: {  	_ = 	snop  }
0x7: {  	_ = 	snop  }
__scs_overlays_trampoline_lowered:
0x8: {  	[smem:$0x3FA4] =	sst s0  }
0x9: {  	[smem:$0x3FA5] =	sst s1  }
0xa: {  	[smem:$0x3FA6] =	sst s2  }
0xb: {  	[smem:$0x3FA7] =	sst s3  }
0xc: {  	[smem:$0x3FA8] =	sst s4  }
0xd: {  	[smem:$0x3FA9] =	sst s5  }
0xe: {  	[smem:$0x3FAA] =	sst s6  }
0xf: {  	[smem:$0x3FAB] =	sst s7  }
0x10: {  	[smem:$0x3FAC] =	sst s8  }
0x11: {  	[smem:$0x3FAD] =	sst s9;
	s0 =	simm.s32 @!p0 $0x0  }
0x12: {  	s1 =	sld [smem:$0x3F93];
	s0 =	simm.s32 @p0 $0x1  }
0x13: {  	[smem:$0x3FAE] =	sst s0;
	s0 =	simm.s32 @!p1 $0x0  }
0x14: {  	s2 =	sld [smem:$0x3F92];
	s0 =	simm.s32 @p1 $0x1  }
0x15: {  	[smem:$0x3FAF] =	sst s0;
	s0 =	simm.s32 @!p2 $0x0  }
0x16: {  	s3 =	sld [smem:$0x3FDB];
	s0 =	simm.s32 @p2 $0x1  }
0x17: {  	s4 =	simm.s32 $0x1BF5;
	[smem:$0x3FB1] =	sst s0  }
0x18: {  	s0 =	sld [smem:$0x3F94];
	_ =	swait.ge [sflag:s4], $0x0  }
0x19: {  	s7 =	sld [smem:$0x3F95]  }
0x1a: {  	s8 =	sadd.s32 $0xFFFFE003, lr  }
0x1b: {  	s9 =	sadd.s32 $0xFFFFFEF7, lr;
	s5 =	simm.s32 $0xFFFFFFFF;
	p2 =	slt.u32 s8, $0xFFFFF086  }
0x1c: {  	p1 =	slt.u32 s9, $0xF7A;
	s5 =	simm.s32 @!p2 $0x0  }
0x1d: {  	s5 =	simm.s32 @p1 $0x1;
	p0 =	seq.s32 s7, s2  }
0x1e: {  	s7 =	smul.u32 @!p0 $0xF7A, s2;
	p2 =	seq.s32 @!p0 s5, $0x0  }
0x1f: {  	s9 =	smul.u32 $0xF7A, s1;
	s8 =	simm.s32 @!p0 $0x1BF5;
	p2 =	por !p2, p0  }
0x20: {  	[sflag:s8] =	ssyncset.s32 @!p0 $0xFFFFF086;
	s6 =	sadd.s32 @!p0 s3, s7;
	s7 =	simm.s32 @!p0 $0x108  }
0x21: {  	s3 =	sadd.s32 s3, s9;
	s6 =	sadd.s32 @!p0 $0x88, s6;
	s7 =	simm.s32 @p2 $0x1082  }
0x22: {  	[simem:s7], [sflag:s8] =	dma.local @!p0 [hbm:s6], $0xF7A  }
0x23: {  	s9 =	sor.u32 $0xD0000000, s2;
	s6 =	simm.s32 $0x108;
	_ =	swait.ge @!p0 [sflag:s8], $0x0  }
0x24: {  	s3 =	sadd.s32 $0x88, s3;
	s6 =	simm.s32 @!p1 $0x1082;
	[sflag:s4] =	ssyncset.s32 $0xFFFFF086  }
0x25: {  	[simem:s6], [sflag:s4] =	dma.local [hbm:s3], $0xF7A  }
0x26: {  	[smem:$0x3F95] =	sst s1;
	(tag) =	ssettag s2;
	_ =	strace s9  }
0x27: {  	s1 =	sld [smem:$0x3FA5]  }
0x28: {  	s2 =	sld [smem:$0x3FA6]  }
0x29: {  	s4 =	sld [smem:$0x3FA8]  }
0x2a: {  	p0 =	seq.s32 s5, $0x0;
	s5 =	sld [smem:$0x3FA9]  }
0x2b: {  	s6 =	sld [smem:$0x3FAA]  }
0x2c: {  	s7 =	sld [smem:$0x3FAB]  }
0x2d: {  	s3 =	simm.s32 $0x108;
	s8 =	sld [smem:$0x3FAC]  }
0x2e: {  	s3 =	simm.s32 @!p0 $0x1082;
	s9 =	sld [smem:$0x3FAD]  }
0x2f: {  	lr =	sadd.s32 s0, s3;
	s0 =	sld [smem:$0x3FA4]  }
0x30: {  	s3 =	sld [smem:$0x3FA7]  }
0x31: {  	[smem:$0x3FB0] =	sst s10  }
0x32: {  	s10 =	sld [smem:$0x3FAE];
	_ =	sdelay $0x3  }
0x33: {  	p0 =	seq.s32 s10, $0x1;
	s10 =	sld [smem:$0x3FB0];
	_ =	sdelay $0x3  }
0x34: {  	[smem:$0x3FB0] =	sst s10  }
0x35: {  	s10 =	sld [smem:$0x3FAF];
	_ =	sdelay $0x3  }
0x36: {  	p1 =	seq.s32 s10, $0x1;
	s10 =	sld [smem:$0x3FB0];
	_ =	sdelay $0x3  }
0x37: {  	[smem:$0x3FB0] =	sst s10  }
0x38: {  	s10 =	sld [smem:$0x3FB1]  }
0x39: {  	_ = 	snop;
	(pc) =	sbr.ind lr, $3  }
0x3a: {  	_ = 	snop  }
0x3b: {  	_ = 	snop  }
0x3c: {  	p2 =	seq.s32 s10, $0x1;
	s10 =	sld [smem:$0x3FB0]  }
0x3d: {  	_ =	shalt  }
0x3e: {  	_ =	shalt  }
0x3f: {  	_ =	shalt  }
0x40: {  	_ =	shalt  }
0x41: {  	_ =	shalt  }
0x42: {  	_ =	shalt  }
0x43: {  	_ =	shalt  }
0x44: {  	_ =	shalt  }
0x45: {  	_ =	shalt  }
0x46: {  	_ =	shalt  }
0x47: {  	_ =	shalt  }
0x48: {  	_ =	shalt  }
0x49: {  	_ =	shalt  }
0x4a: {  	_ =	shalt  }
0x4b: {  	_ =	shalt  }
0x4c: {  	_ =	shalt  }
0x4d: {  	_ =	shalt  }
0x4e: {  	_ =	shalt  }
0x4f: {  	_ =	shalt  }
0x50: {  	_ =	shalt  }
0x51: {  	_ =	shalt  }
0x52: {  	_ =	shalt  }
0x53: {  	_ =	shalt  }
0x54: {  	_ =	shalt  }
0x55: {  	_ =	shalt  }
0x56: {  	_ =	shalt  }
0x57: {  	_ =	shalt  }
0x58: {  	_ =	shalt  }
0x59: {  	_ =	shalt  }
0x5a: {  	_ =	shalt  }
0x5b: {  	_ =	shalt  }
0x5c: {  	_ =	shalt  }
0x5d: {  	_ =	shalt  }
0x5e: {  	_ =	shalt  }
0x5f: {  	_ =	shalt  }
0x60: {  	_ =	shalt  }
0x61: {  	_ =	shalt  }
0x62: {  	_ =	shalt  }
0x63: {  	_ =	shalt  }
0x64: {  	_ =	shalt  }
0x65: {  	_ =	shalt  }
0x66: {  	_ =	shalt  }
0x67: {  	_ =	shalt  }
0x68: {  	_ =	shalt  }
0x69: {  	_ =	shalt  }
0x6a: {  	_ =	shalt  }
0x6b: {  	_ =	shalt  }
0x6c: {  	_ =	shalt  }
0x6d: {  	_ =	shalt  }
0x6e: {  	_ =	shalt  }
0x6f: {  	_ =	shalt  }
0x70: {  	_ =	shalt  }
0x71: {  	_ =	shalt  }
0x72: {  	_ =	shalt  }
0x73: {  	_ =	shalt  }
0x74: {  	_ =	shalt  }
0x75: {  	_ =	shalt  }
0x76: {  	_ =	shalt  }
0x77: {  	_ =	shalt  }
0x78: {  	_ =	shalt  }
0x79: {  	_ =	shalt  }
0x7a: {  	_ =	shalt  }
0x7b: {  	_ =	shalt  }
0x7c: {  	_ =	shalt  }
0x7d: {  	_ =	shalt  }
0x7e: {  	_ =	shalt  }
0x7f: {  	_ =	shalt  }
0x80: {  	_ =	shalt  }
0x81: {  	_ =	shalt  }
0x82: {  	_ =	shalt  }
0x83: {  	_ =	shalt  }
0x84: {  	_ =	shalt  }
0x85: {  	_ =	shalt  }
0x86: {  	_ =	shalt  }
0x87: {  	_ =	shalt  }
.Lfunc_end0:
.L_simem_size_0:
called_computation_lowered:
.L_overlay_start_0:
0x88: {  	s2 =	sld [smem:$0x3FD9]  }
0x89: {  	s3 =	sld [smem:$0x3FFE];
	_ =	sdelay $0x1  }
0x8a: {  	s1 =	srdreg.scid  }
0x8b: {  	s0 =	sand.u32 $0x1, s1  }
0x8c: {  	s17 =	sshll.u32 s0, $0xA;
	s2 =	sadd.s32 s3, s2  }
0x8d: {  	s2 =	sadd.s32 s2, s17  }
0x8e: {  	[smem:$0x3FBC] =	sst s2  }
0x8f: {  	_ = 	snop  }
0x90: {  	s2 =	sld [smem:$0x3FD0];
	(tm) =	ssettm $0x1  }
0x91: {  	s18 =	sld [smem:$0x3FFB];
	_ =	sdelay $0x3  }
0x92: {  	_ =	strace s18  }
0x93: {  	s3 =	sld [smem:$0x3FFC];
	_ =	sdelay $0x3  }
0x94: {  	_ =	strace s3  }
0x95: {  	s3 =	sld [smem:$0x3FFD];
	_ =	sdelay $0x3  }
0x96: {  	_ =	strace s3  }
0x97: {  	_ =	strace $0x8FFFFFFF  }
0x98: {  	s19 =	sld [smem:$0x3FDB];
	_ =	sdelay $0x1  }
0x99: {  	s4 =	simm.s32 $_scs_section_size  }
0x9a: {  	s5 =	simm.s32 $_size__tile_overlayer_lowered;
	s6 =	simm.s32 $_tile_overlayer_lowered  }
0x9b: {  	s22 =	simm.s32 $0x1BFF;
	s21 =	sshll.u32 s6, $0x1;
	s3 =	sadd.s32 s4, s19  }
0x9c: {  	s7 =	simm.s32 $0x0;
	s20 =	sshll.u32 s5, $0x1;
	s5 =	sadd.s32 s21, s3  }
0x9d: {  	[timem:s7], [sflag:s22] =	dma.local [hbm:s5], s20  }
0x9e: {  	_ =	swait.ge [sflag:s22], s20  }
0x9f: {  	s4 =	ssub.s32 $0x0, s20;
	[sflag:s22] =	ssyncset.done $0x0  }
0xa0: {  	[sflag:s22] =	ssyncadd.s32 s4;
	_ =	sdelay $0x1  }
0xa1: {  	s23 =	simm.s32 $0x1B8B  }
0xa2: {  	_ =	swait.ge [sflag:s23], $0x1  }
0xa3: {  	[sflag:s23] =	ssyncset.done $0x0  }
0xa4: {  	s25 =	simm.s32 $0x1B8E;
	s24 =	sld [smem:$0x3FFE];
	[sflag:s23] =	ssyncadd.s32 $0xFFFFFFFF  }
0xa5: {  	s26 =	simm.s32 $execute0_lowered;
	[smem:$0x3FD2] =	sst s25  }
0xa6: {  	s5 =	sshll.u32 s26, $0x1;
	_ =	strace $0x80000046;
	[dreg:$0x1] =	wrdreg $0xFFFFFFFF  }
0xa7: {  	s28 =	simm.s32 $_size_execute0_lowered;
	s3 =	sadd.s32 s3, s5;
	[dreg:$0x0] =	wrdreg $0x0  }
0xa8: {  	s5 =	sshll.u32 s28, $0x1;
	[dreg:$0x2] =	wrdreg s3  }
0xa9: {  	[dreg:$0x3] =	wrdreg s5  }
0xaa: {  	[dreg:$0x4] =	wrdreg $0xC0  }
0xab: {  	_ =	task [dreg:s7], $0x5FFFF  }
0xac: {  	[dreg:$0x1] =	wrdreg $0xFFFFFFFF  }
0xad: {  	[dreg:$0x0] =	wrdreg $0x60  }
0xae: {  	[dreg:$0x2] =	wrdreg s24  }
0xaf: {  	[dreg:$0x3] =	wrdreg s2  }
0xb0: {  	[dreg:$0x4] =	wrdreg $0x9  }
0xb1: {  	_ =	task.clear_ibuf [dreg:s7], $0x5FFFF;
	_ =	strace $0x90000046  }
0xb2: {  	s29 =	simm.s32 $0x9;
	_ =	strace $0x80000048  }
0xb3: {  	_ =	swait.ge [sflag:s29], $0x1  }
0xb4: {  	[sflag:s29] =	ssyncadd.s32 $0xFFFFFFFF  }
0xb5: {  	_ =	strace $0x90000048  }
0xb6: {  	_ =	sfence  }
0xb7: {  	s30 =	sld [smem:$0x0];
	_ =	sdelay $0x2  }
0xb8: {  	s31 =	sshll.u32 s1, $0xD;
	s1 =	sshrl.u32 s1, $0x2  }
0xb9: {  	s3 =	sand.u32 $0x4000, s31;
	s1 =	sadd.s32 s1, s30  }
0xba: {  	s0 =	sor.u32 s3, s0;
	s1 =	sshll.u32 s1, $0x11  }
0xbb: {  	s0 =	sor.u32 s1, s0  }
0xbc: {  	s0 =	sadd.s32 $0x8F2B, s0  }
0xbd: {  	[sflag:s0] =	ssyncadd.remote.s32 $0x1  }
0xbe: {  	_ =	sfence.sel $0xFFFF  }
0xbf: {  	[dreg:$0x0] =	wrdreg $0xFFFFFFFF;
	(pc) =	sbr.abs _section_cstart, $3  }
0xc0: {  	[dreg:$0x1] =	wrdreg $0xFFFFFFFF  }
0xc1: {  	_ =	task.clear_ibuf [dreg:s7], $0x2FFFF;
	_ =	strace $0x9FFFFFFF  }
0xc2: {  	(tm) =	ssettm $0x7FFFFFFF  }
0xc3: {  	_ =	shalt  }
tec
execute0_lowered:
.L_overlay_start_1:
0x0: {  	(tag) =	ssettag $0x1  }
0x1: {  	s0 =	rddreg [dreg:$0x0]  }
0x2: {  	s1 =	rddreg [dreg:$0x1];
	s2 =	simm.s32 $0x0;
	s3 =	srdreg.scid  }
0x3: {  	s4 =	stileid.u32;
	s8 =	simm.s32 $0x80;
	s9 =	simm.s32 $0x4000  }
0x4: {  	s21 =	simm.s32 $0x3D00;
	s22 =	simm.s32 $0xBA00;
	s23 =	simm.s32 $0x3D80  }
0x5: {  	s24 =	simm.s32 $0xBB00;
	s25 =	simm.s32 $0x3E00;
	s28 =	simm.s32 $0x3E80  }
0x6: {  	s29 =	simm.s32 $0xBD00;
	s30 =	simm.s32 $0x3F00;
	s31 =	simm.s32 $0xBE00  }
0x7: {  	s10 =	simm.s32 $0x1;
	s11 =	simm.s32 $0x2;
	s12 =	simm.s32 $0x3  }
0x8: {  	s13 =	simm.s32 $0x4;
	s14 =	simm.s32 $0x0;
	[smem:$0x7FF] =	sst s2  }
0x9: {  	s3 =	sand.u32 $0x1, s3;
	s4 =	sshll.u32 s4, $0x1;
	_ =	strace $0x80000047  }
0xa: {  	s4 =	sor.u32 s3, s4;
	s5 =	ssub.s32 $0x2, s3;
	s3 =	sadd.s32 $0xC00, s0  }
0xb: {  	s6 =	sshll.u32 s4, $0xC;
	s7 =	sshrl.u32 s5, $0x1;
	s4 =	sshll.u32 s4, $0xB  }
0xc: {  	s0 =	sadd.s32 s6, s0;
	s26 =	ssub.s32 s5, s7;
	s4 =	sadd.s32 s1, s4  }
0xd: {  	s7 =	simm.s32 $0x5;
	s1 =	simm.s32 $0xBF00;
	s5 =	sadd.s32 $0x20C00, s0  }
0xe: {  	s6 =	smax.u32 s26, $0x1;
	s26 =	simm.s32 $0xBC00;
	s0 =	simm.s32 $0x3F80  }
.LBB2_1:
0xf: {  	[tilespmem:s2], [sflag:$0x5] =	stream.linear.gather [hbm4b:s4+s2], $0x4000, $0x38;
	[tilespmem:$0xC000] =	vst v63  }
0x10: {  	_ =	swait.ge [sflag:s7], $0x4000  }
0x11: {  	[sflag:s7] =	ssyncset.done $0x0  }
0x12: {  	[sflag:s7] =	ssyncadd.s32 $0xFFFFC000  }
0x13: {  	[tilespmem:s9], [sflag:$0x1] =	stream.indirect.gather [hbm4b:s3+s8], $0x1, s2, s8, $0xb8;
	[tilespmem:$0xC000] =	vst v63  }
0x14: {  	s15 =	simm.s32 $0x4100  }
0x15: {  	[tilespmem:s15], [sflag:$0x1] =	stream.indirect.gather [hbm4b:s3+s8], $0x1, s8, s8, $0xb8;
	[tilespmem:$0xC000] =	vst v63  }
0x16: {  	s20 =	simm.s32 $0x100;
	s16 =	simm.s32 $0x4200  }
0x17: {  	[tilespmem:s16], [sflag:$0x1] =	stream.indirect.gather [hbm4b:s3+s8], $0x1, s20, s8, $0xb8;
	[tilespmem:$0xC000] =	vst v63  }
0x18: {  	s17 =	simm.s32 $0x180;
	s18 =	simm.s32 $0x4300  }
0x19: {  	[tilespmem:s18], [sflag:$0x1] =	stream.indirect.gather [hbm4b:s3+s8], $0x1, s17, s8, $0xb8;
	[tilespmem:$0xC000] =	vst v63  }
0x1a: {  	s19 =	simm.s32 $0x200;
	s20 =	simm.s32 $0x4400  }
0x1b: {  	[tilespmem:s20], [sflag:$0x1] =	stream.indirect.gather [hbm4b:s3+s8], $0x1, s19, s8, $0xb8;
	[tilespmem:$0xC000] =	vst v63  }
0x1c: {  	s17 =	simm.s32 $0x280;
	s18 =	simm.s32 $0x4500  }
0x1d: {  	[tilespmem:s18], [sflag:$0x1] =	stream.indirect.gather [hbm4b:s3+s8], $0x1, s17, s8, $0xb8;
	[tilespmem:$0xC000] =	vst v63  }
0x1e: {  	s19 =	simm.s32 $0x300;
	s20 =	simm.s32 $0x4600  }
0x1f: {  	[tilespmem:s20], [sflag:$0x1] =	stream.indirect.gather [hbm4b:s3+s8], $0x1, s19, s8, $0xb8;
	[tilespmem:$0xC000] =	vst v63  }
0x20: {  	s17 =	simm.s32 $0x380;
	s18 =	simm.s32 $0x4700  }
0x21: {  	[tilespmem:s18], [sflag:$0x1] =	stream.indirect.gather [hbm4b:s3+s8], $0x1, s17, s8, $0xb8;
	[tilespmem:$0xC000] =	vst v63  }
0x22: {  	s19 =	simm.s32 $0x400;
	s20 =	simm.s32 $0x4800  }
0x23: {  	[tilespmem:s20], [sflag:$0x1] =	stream.indirect.gather [hbm4b:s3+s8], $0x1, s19, s8, $0xb8;
	[tilespmem:$0xC000] =	vst v63  }
0x24: {  	s17 =	simm.s32 $0x480;
	s18 =	simm.s32 $0x4900  }
0x25: {  	[tilespmem:s18], [sflag:$0x1] =	stream.indirect.gather [hbm4b:s3+s8], $0x1, s17, s8, $0xb8;
	[tilespmem:$0xC000] =	vst v63  }
0x26: {  	s19 =	simm.s32 $0x500;
	s20 =	simm.s32 $0x4A00  }
0x27: {  	[tilespmem:s20], [sflag:$0x1] =	stream.indirect.gather [hbm4b:s3+s8], $0x1, s19, s8, $0xb8;
	[tilespmem:$0xC000] =	vst v63  }
0x28: {  	s17 =	simm.s32 $0x580;
	s18 =	simm.s32 $0x4B00  }
0x29: {  	[tilespmem:s18], [sflag:$0x1] =	stream.indirect.gather [hbm4b:s3+s8], $0x1, s17, s8, $0xb8;
	[tilespmem:$0xC000] =	vst v63  }
0x2a: {  	s19 =	simm.s32 $0x600;
	s20 =	simm.s32 $0x4C00  }
0x2b: {  	[tilespmem:s20], [sflag:$0x1] =	stream.indirect.gather [hbm4b:s3+s8], $0x1, s19, s8, $0xb8;
	[tilespmem:$0xC000] =	vst v63  }
0x2c: {  	s17 =	simm.s32 $0x680;
	s18 =	simm.s32 $0x4D00  }
0x2d: {  	[tilespmem:s18], [sflag:$0x1] =	stream.indirect.gather [hbm4b:s3+s8], $0x1, s17, s8, $0xb8;
	[tilespmem:$0xC000] =	vst v63  }
0x2e: {  	s19 =	simm.s32 $0x700;
	s20 =	simm.s32 $0x4E00  }
0x2f: {  	[tilespmem:s20], [sflag:$0x1] =	stream.indirect.gather [hbm4b:s3+s8], $0x1, s19, s8, $0xb8;
	[tilespmem:$0xC000] =	vst v63  }
0x30: {  	s17 =	simm.s32 $0x780;
	s18 =	simm.s32 $0x4F00  }
0x31: {  	[tilespmem:s18], [sflag:$0x1] =	stream.indirect.gather [hbm4b:s3+s8], $0x1, s17, s8, $0xb8;
	[tilespmem:$0xC000] =	vst v63  }
0x32: {  	s19 =	simm.s32 $0x800;
	s20 =	simm.s32 $0x5000  }
0x33: {  	[tilespmem:s20], [sflag:$0x1] =	stream.indirect.gather [hbm4b:s3+s8], $0x1, s19, s8, $0xb8;
	[tilespmem:$0xC000] =	vst v63  }
0x34: {  	s17 =	simm.s32 $0x880;
	s18 =	simm.s32 $0x5100  }
0x35: {  	[tilespmem:s18], [sflag:$0x1] =	stream.indirect.gather [hbm4b:s3+s8], $0x1, s17, s8, $0xb8;
	[tilespmem:$0xC000] =	vst v63  }
0x36: {  	s19 =	simm.s32 $0x900;
	s20 =	simm.s32 $0x5200  }
0x37: {  	[tilespmem:s20], [sflag:$0x1] =	stream.indirect.gather [hbm4b:s3+s8], $0x1, s19, s8, $0xb8;
	[tilespmem:$0xC000] =	vst v63  }
0x38: {  	s17 =	simm.s32 $0x980;
	s18 =	simm.s32 $0x5300  }
0x39: {  	[tilespmem:s18], [sflag:$0x1] =	stream.indirect.gather [hbm4b:s3+s8], $0x1, s17, s8, $0xb8;
	[tilespmem:$0xC000] =	vst v63  }
0x3a: {  	s19 =	simm.s32 $0xA00;
	s20 =	simm.s32 $0x5400  }
0x3b: {  	[tilespmem:s20], [sflag:$0x1] =	stream.indirect.gather [hbm4b:s3+s8], $0x1, s19, s8, $0xb8;
	[tilespmem:$0xC000] =	vst v63  }
0x3c: {  	s17 =	simm.s32 $0xA80;
	s18 =	simm.s32 $0x5500  }
0x3d: {  	[tilespmem:s18], [sflag:$0x1] =	stream.indirect.gather [hbm4b:s3+s8], $0x1, s17, s8, $0xb8;
	[tilespmem:$0xC000] =	vst v63  }
0x3e: {  	s19 =	simm.s32 $0xB00;
	s20 =	simm.s32 $0x5600  }
0x3f: {  	[tilespmem:s20], [sflag:$0x1] =	stream.indirect.gather [hbm4b:s3+s8], $0x1, s19, s8, $0xb8;
	[tilespmem:$0xC000] =	vst v63  }
0x40: {  	s17 =	simm.s32 $0xB80;
	s18 =	simm.s32 $0x5700  }
0x41: {  	[tilespmem:s18], [sflag:$0x1] =	stream.indirect.gather [hbm4b:s3+s8], $0x1, s17, s8, $0xb8;
	[tilespmem:$0xC000] =	vst v63  }
0x42: {  	s19 =	simm.s32 $0xC00;
	s20 =	simm.s32 $0x5800  }
0x43: {  	[tilespmem:s20], [sflag:$0x1] =	stream.indirect.gather [hbm4b:s3+s8], $0x1, s19, s8, $0xb8;
	[tilespmem:$0xC000] =	vst v63  }
0x44: {  	s17 =	simm.s32 $0xC80;
	s18 =	simm.s32 $0x5900  }
0x45: {  	[tilespmem:s18], [sflag:$0x1] =	stream.indirect.gather [hbm4b:s3+s8], $0x1, s17, s8, $0xb8;
	[tilespmem:$0xC000] =	vst v63  }
0x46: {  	s19 =	simm.s32 $0xD00;
	s20 =	simm.s32 $0x5A00  }
0x47: {  	[tilespmem:s20], [sflag:$0x1] =	stream.indirect.gather [hbm4b:s3+s8], $0x1, s19, s8, $0xb8;
	[tilespmem:$0xC000] =	vst v63  }
0x48: {  	s17 =	simm.s32 $0xD80;
	s18 =	simm.s32 $0x5B00  }
0x49: {  	[tilespmem:s18], [sflag:$0x1] =	stream.indirect.gather [hbm4b:s3+s8], $0x1, s17, s8, $0xb8;
	[tilespmem:$0xC000] =	vst v63  }
0x4a: {  	s19 =	simm.s32 $0xE00;
	s20 =	simm.s32 $0x5C00  }
0x4b: {  	[tilespmem:s20], [sflag:$0x1] =	stream.indirect.gather [hbm4b:s3+s8], $0x1, s19, s8, $0xb8;
	[tilespmem:$0xC000] =	vst v63  }
0x4c: {  	s17 =	simm.s32 $0xE80;
	s18 =	simm.s32 $0x5D00  }
0x4d: {  	[tilespmem:s18], [sflag:$0x1] =	stream.indirect.gather [hbm4b:s3+s8], $0x1, s17, s8, $0xb8;
	[tilespmem:$0xC000] =	vst v63  }
0x4e: {  	s19 =	simm.s32 $0xF00;
	s20 =	simm.s32 $0x5E00  }
0x4f: {  	[tilespmem:s20], [sflag:$0x1] =	stream.indirect.gather [hbm4b:s3+s8], $0x1, s19, s8, $0xb8;
	[tilespmem:$0xC000] =	vst v63  }
0x50: {  	s17 =	simm.s32 $0xF80;
	s18 =	simm.s32 $0x5F00  }
0x51: {  	[tilespmem:s18], [sflag:$0x1] =	stream.indirect.gather [hbm4b:s3+s8], $0x1, s17, s8, $0xb8;
	[tilespmem:$0xC000] =	vst v63  }
0x52: {  	s19 =	simm.s32 $0x1000;
	s20 =	simm.s32 $0x6000  }
0x53: {  	[tilespmem:s20], [sflag:$0x2] =	stream.indirect.gather [hbm4b:s3+s8], $0x1, s19, s8, $0xb8;
	[tilespmem:$0xC000] =	vst v63  }
0x54: {  	s17 =	simm.s32 $0x1080;
	s18 =	simm.s32 $0x6100  }
0x55: {  	[tilespmem:s18], [sflag:$0x2] =	stream.indirect.gather [hbm4b:s3+s8], $0x1, s17, s8, $0xb8;
	[tilespmem:$0xC000] =	vst v63  }
0x56: {  	s19 =	simm.s32 $0x1100;
	s20 =	simm.s32 $0x6200  }
0x57: {  	[tilespmem:s20], [sflag:$0x2] =	stream.indirect.gather [hbm4b:s3+s8], $0x1, s19, s8, $0xb8;
	[tilespmem:$0xC000] =	vst v63  }
0x58: {  	s17 =	simm.s32 $0x1180;
	s18 =	simm.s32 $0x6300  }
0x59: {  	[tilespmem:s18], [sflag:$0x2] =	stream.indirect.gather [hbm4b:s3+s8], $0x1, s17, s8, $0xb8;
	[tilespmem:$0xC000] =	vst v63  }
0x5a: {  	s19 =	simm.s32 $0x1200;
	s20 =	simm.s32 $0x6400  }
0x5b: {  	[tilespmem:s20], [sflag:$0x2] =	stream.indirect.gather [hbm4b:s3+s8], $0x1, s19, s8, $0xb8;
	[tilespmem:$0xC000] =	vst v63  }
0x5c: {  	s17 =	simm.s32 $0x1280;
	s18 =	simm.s32 $0x6500  }
0x5d: {  	[tilespmem:s18], [sflag:$0x2] =	stream.indirect.gather [hbm4b:s3+s8], $0x1, s17, s8, $0xb8;
	[tilespmem:$0xC000] =	vst v63  }
0x5e: {  	s19 =	simm.s32 $0x1300;
	s20 =	simm.s32 $0x6600  }
0x5f: {  	[tilespmem:s20], [sflag:$0x2] =	stream.indirect.gather [hbm4b:s3+s8], $0x1, s19, s8, $0xb8;
	[tilespmem:$0xC000] =	vst v63  }
0x60: {  	s17 =	simm.s32 $0x1380;
	s18 =	simm.s32 $0x6700  }
0x61: {  	[tilespmem:s18], [sflag:$0x2] =	stream.indirect.gather [hbm4b:s3+s8], $0x1, s17, s8, $0xb8;
	[tilespmem:$0xC000] =	vst v63  }
0x62: {  	s19 =	simm.s32 $0x1400;
	s20 =	simm.s32 $0x6800  }
0x63: {  	[tilespmem:s20], [sflag:$0x2] =	stream.indirect.gather [hbm4b:s3+s8], $0x1, s19, s8, $0xb8;
	[tilespmem:$0xC000] =	vst v63  }
0x64: {  	s17 =	simm.s32 $0x1480;
	s18 =	simm.s32 $0x6900  }
0x65: {  	[tilespmem:s18], [sflag:$0x2] =	stream.indirect.gather [hbm4b:s3+s8], $0x1, s17, s8, $0xb8;
	[tilespmem:$0xC000] =	vst v63  }
0x66: {  	s19 =	simm.s32 $0x1500;
	s20 =	simm.s32 $0x6A00  }
0x67: {  	[tilespmem:s20], [sflag:$0x2] =	stream.indirect.gather [hbm4b:s3+s8], $0x1, s19, s8, $0xb8;
	[tilespmem:$0xC000] =	vst v63  }
0x68: {  	s17 =	simm.s32 $0x1580;
	s18 =	simm.s32 $0x6B00  }
0x69: {  	[tilespmem:s18], [sflag:$0x2] =	stream.indirect.gather [hbm4b:s3+s8], $0x1, s17, s8, $0xb8;
	[tilespmem:$0xC000] =	vst v63  }
0x6a: {  	s19 =	simm.s32 $0x1600;
	s20 =	simm.s32 $0x6C00  }
0x6b: {  	[tilespmem:s20], [sflag:$0x2] =	stream.indirect.gather [hbm4b:s3+s8], $0x1, s19, s8, $0xb8;
	[tilespmem:$0xC000] =	vst v63  }
0x6c: {  	s17 =	simm.s32 $0x1680;
	s18 =	simm.s32 $0x6D00  }
0x6d: {  	[tilespmem:s18], [sflag:$0x2] =	stream.indirect.gather [hbm4b:s3+s8], $0x1, s17, s8, $0xb8;
	[tilespmem:$0xC000] =	vst v63  }
0x6e: {  	s19 =	simm.s32 $0x1700;
	s20 =	simm.s32 $0x6E00  }
0x6f: {  	[tilespmem:s20], [sflag:$0x2] =	stream.indirect.gather [hbm4b:s3+s8], $0x1, s19, s8, $0xb8;
	[tilespmem:$0xC000] =	vst v63  }
0x70: {  	s17 =	simm.s32 $0x1780;
	s18 =	simm.s32 $0x6F00  }
0x71: {  	[tilespmem:s18], [sflag:$0x2] =	stream.indirect.gather [hbm4b:s3+s8], $0x1, s17, s8, $0xb8;
	[tilespmem:$0xC000] =	vst v63  }
0x72: {  	s19 =	simm.s32 $0x1800;
	s20 =	simm.s32 $0x7000  }
0x73: {  	[tilespmem:s20], [sflag:$0x2] =	stream.indirect.gather [hbm4b:s3+s8], $0x1, s19, s8, $0xb8;
	[tilespmem:$0xC000] =	vst v63  }
0x74: {  	s17 =	simm.s32 $0x1880;
	s18 =	simm.s32 $0x7100  }
0x75: {  	[tilespmem:s18], [sflag:$0x2] =	stream.indirect.gather [hbm4b:s3+s8], $0x1, s17, s8, $0xb8;
	[tilespmem:$0xC000] =	vst v63  }
0x76: {  	s19 =	simm.s32 $0x1900;
	s20 =	simm.s32 $0x7200  }
0x77: {  	[tilespmem:s20], [sflag:$0x2] =	stream.indirect.gather [hbm4b:s3+s8], $0x1, s19, s8, $0xb8;
	[tilespmem:$0xC000] =	vst v63  }
0x78: {  	s17 =	simm.s32 $0x1980;
	s18 =	simm.s32 $0x7300  }
0x79: {  	[tilespmem:s18], [sflag:$0x2] =	stream.indirect.gather [hbm4b:s3+s8], $0x1, s17, s8, $0xb8;
	[tilespmem:$0xC000] =	vst v63  }
0x7a: {  	s19 =	simm.s32 $0x1A00;
	s20 =	simm.s32 $0x7400  }
0x7b: {  	[tilespmem:s20], [sflag:$0x2] =	stream.indirect.gather [hbm4b:s3+s8], $0x1, s19, s8, $0xb8;
	[tilespmem:$0xC000] =	vst v63  }
0x7c: {  	s17 =	simm.s32 $0x1A80;
	s18 =	simm.s32 $0x7500  }
0x7d: {  	[tilespmem:s18], [sflag:$0x2] =	stream.indirect.gather [hbm4b:s3+s8], $0x1, s17, s8, $0xb8;
	[tilespmem:$0xC000] =	vst v63  }
0x7e: {  	s19 =	simm.s32 $0x1B00;
	s20 =	simm.s32 $0x7600  }
0x7f: {  	[tilespmem:s20], [sflag:$0x2] =	stream.indirect.gather [hbm4b:s3+s8], $0x1, s19, s8, $0xb8;
	[tilespmem:$0xC000] =	vst v63  }
0x80: {  	s17 =	simm.s32 $0x1B80;
	s18 =	simm.s32 $0x7700  }
0x81: {  	[tilespmem:s18], [sflag:$0x2] =	stream.indirect.gather [hbm4b:s3+s8], $0x1, s17, s8, $0xb8;
	[tilespmem:$0xC000] =	vst v63  }
0x82: {  	s19 =	simm.s32 $0x1C00;
	s20 =	simm.s32 $0x7800  }
0x83: {  	[tilespmem:s20], [sflag:$0x2] =	stream.indirect.gather [hbm4b:s3+s8], $0x1, s19, s8, $0xb8;
	[tilespmem:$0xC000] =	vst v63  }
0x84: {  	s17 =	simm.s32 $0x1C80;
	s18 =	simm.s32 $0x7900  }
0x85: {  	[tilespmem:s18], [sflag:$0x2] =	stream.indirect.gather [hbm4b:s3+s8], $0x1, s17, s8, $0xb8;
	[tilespmem:$0xC000] =	vst v63  }
0x86: {  	s19 =	simm.s32 $0x1D00;
	s20 =	simm.s32 $0x7A00  }
0x87: {  	[tilespmem:s20], [sflag:$0x2] =	stream.indirect.gather [hbm4b:s3+s8], $0x1, s19, s8, $0xb8;
	[tilespmem:$0xC000] =	vst v63  }
0x88: {  	s17 =	simm.s32 $0x1D80;
	s18 =	simm.s32 $0x7B00  }
0x89: {  	[tilespmem:s18], [sflag:$0x2] =	stream.indirect.gather [hbm4b:s3+s8], $0x1, s17, s8, $0xb8;
	[tilespmem:$0xC000] =	vst v63  }
0x8a: {  	s19 =	simm.s32 $0x1E00;
	s20 =	simm.s32 $0x7C00  }
0x8b: {  	[tilespmem:s20], [sflag:$0x2] =	stream.indirect.gather [hbm4b:s3+s8], $0x1, s19, s8, $0xb8;
	[tilespmem:$0xC000] =	vst v63  }
0x8c: {  	s17 =	simm.s32 $0x1E80;
	s18 =	simm.s32 $0x7D00  }
0x8d: {  	[tilespmem:s18], [sflag:$0x2] =	stream.indirect.gather [hbm4b:s3+s8], $0x1, s17, s8, $0xb8;
	[tilespmem:$0xC000] =	vst v63  }
0x8e: {  	s19 =	simm.s32 $0x1F00;
	s20 =	simm.s32 $0x7E00  }
0x8f: {  	[tilespmem:s20], [sflag:$0x2] =	stream.indirect.gather [hbm4b:s3+s8], $0x1, s19, s8, $0xb8;
	[tilespmem:$0xC000] =	vst v63  }
0x90: {  	s17 =	simm.s32 $0x1F80;
	s18 =	simm.s32 $0x7F00  }
0x91: {  	[tilespmem:s18], [sflag:$0x2] =	stream.indirect.gather [hbm4b:s3+s8], $0x1, s17, s8, $0xb8;
	[tilespmem:$0xC000] =	vst v63  }
0x92: {  	s19 =	simm.s32 $0x2000;
	s20 =	simm.s32 $0x8000  }
0x93: {  	[tilespmem:s20], [sflag:$0x3] =	stream.indirect.gather [hbm4b:s3+s8], $0x1, s19, s8, $0xb8;
	[tilespmem:$0xC000] =	vst v63  }
0x94: {  	s17 =	simm.s32 $0x2080;
	s18 =	simm.s32 $0x8100  }
0x95: {  	[tilespmem:s18], [sflag:$0x3] =	stream.indirect.gather [hbm4b:s3+s8], $0x1, s17, s8, $0xb8;
	[tilespmem:$0xC000] =	vst v63  }
0x96: {  	s19 =	simm.s32 $0x2100;
	s20 =	simm.s32 $0x8200  }
0x97: {  	[tilespmem:s20], [sflag:$0x3] =	stream.indirect.gather [hbm4b:s3+s8], $0x1, s19, s8, $0xb8;
	[tilespmem:$0xC000] =	vst v63  }
0x98: {  	s17 =	simm.s32 $0x2180;
	s18 =	simm.s32 $0x8300  }
0x99: {  	[tilespmem:s18], [sflag:$0x3] =	stream.indirect.gather [hbm4b:s3+s8], $0x1, s17, s8, $0xb8;
	[tilespmem:$0xC000] =	vst v63  }
0x9a: {  	s19 =	simm.s32 $0x2200;
	s20 =	simm.s32 $0x8400  }
0x9b: {  	[tilespmem:s20], [sflag:$0x3] =	stream.indirect.gather [hbm4b:s3+s8], $0x1, s19, s8, $0xb8;
	[tilespmem:$0xC000] =	vst v63  }
0x9c: {  	s17 =	simm.s32 $0x2280;
	s18 =	simm.s32 $0x8500  }
0x9d: {  	[tilespmem:s18], [sflag:$0x3] =	stream.indirect.gather [hbm4b:s3+s8], $0x1, s17, s8, $0xb8;
	[tilespmem:$0xC000] =	vst v63  }
0x9e: {  	s19 =	simm.s32 $0x2300;
	s20 =	simm.s32 $0x8600  }
0x9f: {  	[tilespmem:s20], [sflag:$0x3] =	stream.indirect.gather [hbm4b:s3+s8], $0x1, s19, s8, $0xb8;
	[tilespmem:$0xC000] =	vst v63  }
0xa0: {  	s17 =	simm.s32 $0x2380;
	s18 =	simm.s32 $0x8700  }
0xa1: {  	[tilespmem:s18], [sflag:$0x3] =	stream.indirect.gather [hbm4b:s3+s8], $0x1, s17, s8, $0xb8;
	[tilespmem:$0xC000] =	vst v63  }
0xa2: {  	s19 =	simm.s32 $0x2400;
	s20 =	simm.s32 $0x8800  }
0xa3: {  	[tilespmem:s20], [sflag:$0x3] =	stream.indirect.gather [hbm4b:s3+s8], $0x1, s19, s8, $0xb8;
	[tilespmem:$0xC000] =	vst v63  }
0xa4: {  	s17 =	simm.s32 $0x2480;
	s18 =	simm.s32 $0x8900  }
0xa5: {  	[tilespmem:s18], [sflag:$0x3] =	stream.indirect.gather [hbm4b:s3+s8], $0x1, s17, s8, $0xb8;
	[tilespmem:$0xC000] =	vst v63  }
0xa6: {  	s19 =	simm.s32 $0x2500;
	s20 =	simm.s32 $0x8A00  }
0xa7: {  	[tilespmem:s20], [sflag:$0x3] =	stream.indirect.gather [hbm4b:s3+s8], $0x1, s19, s8, $0xb8;
	[tilespmem:$0xC000] =	vst v63  }
0xa8: {  	s17 =	simm.s32 $0x2580;
	s18 =	simm.s32 $0x8B00  }
0xa9: {  	[tilespmem:s18], [sflag:$0x3] =	stream.indirect.gather [hbm4b:s3+s8], $0x1, s17, s8, $0xb8;
	[tilespmem:$0xC000] =	vst v63  }
0xaa: {  	s19 =	simm.s32 $0x2600;
	s20 =	simm.s32 $0x8C00  }
0xab: {  	[tilespmem:s20], [sflag:$0x3] =	stream.indirect.gather [hbm4b:s3+s8], $0x1, s19, s8, $0xb8;
	[tilespmem:$0xC000] =	vst v63  }
0xac: {  	s17 =	simm.s32 $0x2680;
	s18 =	simm.s32 $0x8D00  }
0xad: {  	[tilespmem:s18], [sflag:$0x3] =	stream.indirect.gather [hbm4b:s3+s8], $0x1, s17, s8, $0xb8;
	[tilespmem:$0xC000] =	vst v63  }
0xae: {  	s19 =	simm.s32 $0x2700;
	s20 =	simm.s32 $0x8E00  }
0xaf: {  	[tilespmem:s20], [sflag:$0x3] =	stream.indirect.gather [hbm4b:s3+s8], $0x1, s19, s8, $0xb8;
	[tilespmem:$0xC000] =	vst v63  }
0xb0: {  	s17 =	simm.s32 $0x2780;
	s18 =	simm.s32 $0x8F00  }
0xb1: {  	[tilespmem:s18], [sflag:$0x3] =	stream.indirect.gather [hbm4b:s3+s8], $0x1, s17, s8, $0xb8;
	[tilespmem:$0xC000] =	vst v63  }
0xb2: {  	s19 =	simm.s32 $0x2800;
	s20 =	simm.s32 $0x9000  }
0xb3: {  	[tilespmem:s20], [sflag:$0x3] =	stream.indirect.gather [hbm4b:s3+s8], $0x1, s19, s8, $0xb8;
	[tilespmem:$0xC000] =	vst v63  }
0xb4: {  	s17 =	simm.s32 $0x2880;
	s18 =	simm.s32 $0x9100  }
0xb5: {  	[tilespmem:s18], [sflag:$0x3] =	stream.indirect.gather [hbm4b:s3+s8], $0x1, s17, s8, $0xb8;
	[tilespmem:$0xC000] =	vst v63  }
0xb6: {  	s19 =	simm.s32 $0x2900;
	s20 =	simm.s32 $0x9200  }
0xb7: {  	[tilespmem:s20], [sflag:$0x3] =	stream.indirect.gather [hbm4b:s3+s8], $0x1, s19, s8, $0xb8;
	[tilespmem:$0xC000] =	vst v63  }
0xb8: {  	s17 =	simm.s32 $0x2980;
	s18 =	simm.s32 $0x9300  }
0xb9: {  	[tilespmem:s18], [sflag:$0x3] =	stream.indirect.gather [hbm4b:s3+s8], $0x1, s17, s8, $0xb8;
	[tilespmem:$0xC000] =	vst v63  }
0xba: {  	s19 =	simm.s32 $0x2A00;
	s20 =	simm.s32 $0x9400  }
0xbb: {  	[tilespmem:s20], [sflag:$0x3] =	stream.indirect.gather [hbm4b:s3+s8], $0x1, s19, s8, $0xb8;
	[tilespmem:$0xC000] =	vst v63  }
0xbc: {  	s17 =	simm.s32 $0x2A80;
	s18 =	simm.s32 $0x9500  }
0xbd: {  	[tilespmem:s18], [sflag:$0x3] =	stream.indirect.gather [hbm4b:s3+s8], $0x1, s17, s8, $0xb8;
	[tilespmem:$0xC000] =	vst v63  }
0xbe: {  	s19 =	simm.s32 $0x2B00;
	s20 =	simm.s32 $0x9600  }
0xbf: {  	[tilespmem:s20], [sflag:$0x3] =	stream.indirect.gather [hbm4b:s3+s8], $0x1, s19, s8, $0xb8;
	[tilespmem:$0xC000] =	vst v63  }
0xc0: {  	s17 =	simm.s32 $0x2B80;
	s18 =	simm.s32 $0x9700  }
0xc1: {  	[tilespmem:s18], [sflag:$0x3] =	stream.indirect.gather [hbm4b:s3+s8], $0x1, s17, s8, $0xb8;
	[tilespmem:$0xC000] =	vst v63  }
0xc2: {  	s19 =	simm.s32 $0x2C00;
	s20 =	simm.s32 $0x9800  }
0xc3: {  	[tilespmem:s20], [sflag:$0x3] =	stream.indirect.gather [hbm4b:s3+s8], $0x1, s19, s8, $0xb8;
	[tilespmem:$0xC000] =	vst v63  }
0xc4: {  	s17 =	simm.s32 $0x2C80;
	s18 =	simm.s32 $0x9900  }
0xc5: {  	[tilespmem:s18], [sflag:$0x3] =	stream.indirect.gather [hbm4b:s3+s8], $0x1, s17, s8, $0xb8;
	[tilespmem:$0xC000] =	vst v63  }
0xc6: {  	s19 =	simm.s32 $0x2D00;
	s20 =	simm.s32 $0x9A00  }
0xc7: {  	[tilespmem:s20], [sflag:$0x3] =	stream.indirect.gather [hbm4b:s3+s8], $0x1, s19, s8, $0xb8;
	[tilespmem:$0xC000] =	vst v63  }
0xc8: {  	s17 =	simm.s32 $0x2D80;
	s18 =	simm.s32 $0x9B00  }
0xc9: {  	[tilespmem:s18], [sflag:$0x3] =	stream.indirect.gather [hbm4b:s3+s8], $0x1, s17, s8, $0xb8;
	[tilespmem:$0xC000] =	vst v63  }
0xca: {  	s19 =	simm.s32 $0x2E00;
	s20 =	simm.s32 $0x9C00  }
0xcb: {  	[tilespmem:s20], [sflag:$0x3] =	stream.indirect.gather [hbm4b:s3+s8], $0x1, s19, s8, $0xb8;
	[tilespmem:$0xC000] =	vst v63  }
0xcc: {  	s17 =	simm.s32 $0x2E80;
	s18 =	simm.s32 $0x9D00  }
0xcd: {  	[tilespmem:s18], [sflag:$0x3] =	stream.indirect.gather [hbm4b:s3+s8], $0x1, s17, s8, $0xb8;
	[tilespmem:$0xC000] =	vst v63  }
0xce: {  	s19 =	simm.s32 $0x2F00;
	s20 =	simm.s32 $0x9E00  }
0xcf: {  	[tilespmem:s20], [sflag:$0x3] =	stream.indirect.gather [hbm4b:s3+s8], $0x1, s19, s8, $0xb8;
	[tilespmem:$0xC000] =	vst v63  }
0xd0: {  	s17 =	simm.s32 $0x2F80;
	s18 =	simm.s32 $0x9F00  }
0xd1: {  	[tilespmem:s18], [sflag:$0x3] =	stream.indirect.gather [hbm4b:s3+s8], $0x1, s17, s8, $0xb8;
	[tilespmem:$0xC000] =	vst v63  }
0xd2: {  	s19 =	simm.s32 $0x3000;
	s20 =	simm.s32 $0xA000  }
0xd3: {  	[tilespmem:s20], [sflag:$0x4] =	stream.indirect.gather [hbm4b:s3+s8], $0x1, s19, s8, $0xb8;
	[tilespmem:$0xC000] =	vst v63  }
0xd4: {  	s17 =	simm.s32 $0x3080;
	s18 =	simm.s32 $0xA100  }
0xd5: {  	[tilespmem:s18], [sflag:$0x4] =	stream.indirect.gather [hbm4b:s3+s8], $0x1, s17, s8, $0xb8;
	[tilespmem:$0xC000] =	vst v63  }
0xd6: {  	s19 =	simm.s32 $0x3100;
	s20 =	simm.s32 $0xA200  }
0xd7: {  	[tilespmem:s20], [sflag:$0x4] =	stream.indirect.gather [hbm4b:s3+s8], $0x1, s19, s8, $0xb8;
	[tilespmem:$0xC000] =	vst v63  }
0xd8: {  	s17 =	simm.s32 $0x3180;
	s18 =	simm.s32 $0xA300  }
0xd9: {  	[tilespmem:s18], [sflag:$0x4] =	stream.indirect.gather [hbm4b:s3+s8], $0x1, s17, s8, $0xb8;
	[tilespmem:$0xC000] =	vst v63  }
0xda: {  	s19 =	simm.s32 $0x3200;
	s20 =	simm.s32 $0xA400  }
0xdb: {  	[tilespmem:s20], [sflag:$0x4] =	stream.indirect.gather [hbm4b:s3+s8], $0x1, s19, s8, $0xb8;
	[tilespmem:$0xC000] =	vst v63  }
0xdc: {  	s17 =	simm.s32 $0x3280;
	s18 =	simm.s32 $0xA500  }
0xdd: {  	[tilespmem:s18], [sflag:$0x4] =	stream.indirect.gather [hbm4b:s3+s8], $0x1, s17, s8, $0xb8;
	[tilespmem:$0xC000] =	vst v63  }
0xde: {  	s19 =	simm.s32 $0x3300;
	s20 =	simm.s32 $0xA600  }
0xdf: {  	[tilespmem:s20], [sflag:$0x4] =	stream.indirect.gather [hbm4b:s3+s8], $0x1, s19, s8, $0xb8;
	[tilespmem:$0xC000] =	vst v63  }
0xe0: {  	s17 =	simm.s32 $0x3380;
	s18 =	simm.s32 $0xA700  }
0xe1: {  	[tilespmem:s18], [sflag:$0x4] =	stream.indirect.gather [hbm4b:s3+s8], $0x1, s17, s8, $0xb8;
	[tilespmem:$0xC000] =	vst v63  }
0xe2: {  	s19 =	simm.s32 $0x3400;
	s20 =	simm.s32 $0xA800  }
0xe3: {  	[tilespmem:s20], [sflag:$0x4] =	stream.indirect.gather [hbm4b:s3+s8], $0x1, s19, s8, $0xb8;
	[tilespmem:$0xC000] =	vst v63  }
0xe4: {  	s17 =	simm.s32 $0x3480;
	s18 =	simm.s32 $0xA900  }
0xe5: {  	[tilespmem:s18], [sflag:$0x4] =	stream.indirect.gather [hbm4b:s3+s8], $0x1, s17, s8, $0xb8;
	[tilespmem:$0xC000] =	vst v63  }
0xe6: {  	s19 =	simm.s32 $0x3500;
	s20 =	simm.s32 $0xAA00  }
0xe7: {  	[tilespmem:s20], [sflag:$0x4] =	stream.indirect.gather [hbm4b:s3+s8], $0x1, s19, s8, $0xb8;
	[tilespmem:$0xC000] =	vst v63  }
0xe8: {  	s17 =	simm.s32 $0x3580;
	s18 =	simm.s32 $0xAB00  }
0xe9: {  	[tilespmem:s18], [sflag:$0x4] =	stream.indirect.gather [hbm4b:s3+s8], $0x1, s17, s8, $0xb8;
	[tilespmem:$0xC000] =	vst v63  }
0xea: {  	s19 =	simm.s32 $0x3600;
	s20 =	simm.s32 $0xAC00  }
0xeb: {  	[tilespmem:s20], [sflag:$0x4] =	stream.indirect.gather [hbm4b:s3+s8], $0x1, s19, s8, $0xb8;
	[tilespmem:$0xC000] =	vst v63  }
0xec: {  	s17 =	simm.s32 $0x3680;
	s18 =	simm.s32 $0xAD00  }
0xed: {  	[tilespmem:s18], [sflag:$0x4] =	stream.indirect.gather [hbm4b:s3+s8], $0x1, s17, s8, $0xb8;
	[tilespmem:$0xC000] =	vst v63  }
0xee: {  	s19 =	simm.s32 $0x3700;
	s20 =	simm.s32 $0xAE00  }
0xef: {  	[tilespmem:s20], [sflag:$0x4] =	stream.indirect.gather [hbm4b:s3+s8], $0x1, s19, s8, $0xb8;
	[tilespmem:$0xC000] =	vst v63  }
0xf0: {  	s17 =	simm.s32 $0x3780;
	s18 =	simm.s32 $0xAF00  }
0xf1: {  	[tilespmem:s18], [sflag:$0x4] =	stream.indirect.gather [hbm4b:s3+s8], $0x1, s17, s8, $0xb8;
	[tilespmem:$0xC000] =	vst v63  }
0xf2: {  	s19 =	simm.s32 $0x3800;
	s20 =	simm.s32 $0xB000  }
0xf3: {  	[tilespmem:s20], [sflag:$0x4] =	stream.indirect.gather [hbm4b:s3+s8], $0x1, s19, s8, $0xb8;
	[tilespmem:$0xC000] =	vst v63  }
0xf4: {  	s17 =	simm.s32 $0x3880;
	s18 =	simm.s32 $0xB100  }
0xf5: {  	[tilespmem:s18], [sflag:$0x4] =	stream.indirect.gather [hbm4b:s3+s8], $0x1, s17, s8, $0xb8;
	[tilespmem:$0xC000] =	vst v63  }
0xf6: {  	s19 =	simm.s32 $0x3900;
	s20 =	simm.s32 $0xB200  }
0xf7: {  	[tilespmem:s20], [sflag:$0x4] =	stream.indirect.gather [hbm4b:s3+s8], $0x1, s19, s8, $0xb8;
	[tilespmem:$0xC000] =	vst v63  }
0xf8: {  	s17 =	simm.s32 $0x3980;
	s18 =	simm.s32 $0xB300  }
0xf9: {  	[tilespmem:s18], [sflag:$0x4] =	stream.indirect.gather [hbm4b:s3+s8], $0x1, s17, s8, $0xb8;
	[tilespmem:$0xC000] =	vst v63  }
0xfa: {  	s19 =	simm.s32 $0x3A00;
	s20 =	simm.s32 $0xB400  }
0xfb: {  	[tilespmem:s20], [sflag:$0x4] =	stream.indirect.gather [hbm4b:s3+s8], $0x1, s19, s8, $0xb8;
	[tilespmem:$0xC000] =	vst v63  }
0xfc: {  	s17 =	simm.s32 $0x3A80;
	s18 =	simm.s32 $0xB500  }
0xfd: {  	[tilespmem:s18], [sflag:$0x4] =	stream.indirect.gather [hbm4b:s3+s8], $0x1, s17, s8, $0xb8;
	[tilespmem:$0xC000] =	vst v63  }
0xfe: {  	s19 =	simm.s32 $0x3B00;
	s20 =	simm.s32 $0xB600  }
0xff: {  	[tilespmem:s20], [sflag:$0x4] =	stream.indirect.gather [hbm4b:s3+s8], $0x1, s19, s8, $0xb8;
	[tilespmem:$0xC000] =	vst v63  }
0x100: {  	s17 =	simm.s32 $0x3B80;
	s18 =	simm.s32 $0xB700  }
0x101: {  	[tilespmem:s18], [sflag:$0x4] =	stream.indirect.gather [hbm4b:s3+s8], $0x1, s17, s8, $0xb8;
	[tilespmem:$0xC000] =	vst v63  }
0x102: {  	s19 =	simm.s32 $0x3C00;
	s20 =	simm.s32 $0xB800  }
0x103: {  	[tilespmem:s20], [sflag:$0x4] =	stream.indirect.gather [hbm4b:s3+s8], $0x1, s19, s8, $0xb8;
	[tilespmem:$0xC000] =	vst v63  }
0x104: {  	s16 =	simm.s32 $0x3C80;
	s17 =	simm.s32 $0xB900  }
0x105: {  	[tilespmem:s17], [sflag:$0x4] =	stream.indirect.gather [hbm4b:s3+s8], $0x1, s16, s8, $0xb8;
	[tilespmem:$0xC000] =	vst v63  }
0x106: {  	_ = 	snop  }
0x107: {  	[tilespmem:s22], [sflag:$0x4] =	stream.indirect.gather [hbm4b:s3+s8], $0x1, s21, s8, $0xb8;
	[tilespmem:$0xC000] =	vst v63  }
0x108: {  	_ = 	snop  }
0x109: {  	[tilespmem:s24], [sflag:$0x4] =	stream.indirect.gather [hbm4b:s3+s8], $0x1, s23, s8, $0xb8;
	[tilespmem:$0xC000] =	vst v63  }
0x10a: {  	_ = 	snop  }
0x10b: {  	[tilespmem:s26], [sflag:$0x4] =	stream.indirect.gather [hbm4b:s3+s8], $0x1, s25, s8, $0xb8;
	[tilespmem:$0xC000] =	vst v63  }
0x10c: {  	_ = 	snop  }
0x10d: {  	[tilespmem:s29], [sflag:$0x4] =	stream.indirect.gather [hbm4b:s3+s8], $0x1, s28, s8, $0xb8;
	[tilespmem:$0xC000] =	vst v63  }
0x10e: {  	_ = 	snop  }
0x10f: {  	[tilespmem:s31], [sflag:$0x4] =	stream.indirect.gather [hbm4b:s3+s8], $0x1, s30, s8, $0xb8;
	[tilespmem:$0xC000] =	vst v63  }
0x110: {  	_ = 	snop  }
0x111: {  	[tilespmem:s1], [sflag:$0x4] =	stream.indirect.gather [hbm4b:s3+s8], $0x1, s0, s8, $0xb8;
	[tilespmem:$0xC000] =	vst v63  }
0x112: {  	_ =	swait.ge [sflag:s10], $0x1000  }
0x113: {  	s18 =	sand.u32 $0x1F00, s2;
	s19 =	sand.u32 $0x40, s2;
	[sflag:s10] =	ssyncset.done $0x0  }
0x114: {  	s15 =	sor.u32 s19, s18;
	[sflag:s10] =	ssyncadd.s32 $0xFFFFF000  }
0x115: {  	v0 =	vld [tilespmem:s15+$0x4030]  }
0x116: {  	v2 =	vld [tilespmem:s15+$0x4000]  }
0x117: {  	v3 =	vld [tilespmem:s15+$0x4010]  }
0x118: {  	s20 =	simm.s32 $0x80;
	s17 =	simm.s32 $0x40;
	v4 =	vld [tilespmem:s15+$0x4020]  }
0x119: {  	s16 =	sand.u32 $0x1F00, s20;
	s18 =	sand.u32 $0x40, s17  }
0x11a: {  	s16 =	sor.u32 s18, s16;
	v5 =	vsub.f32 $1.000000000e+00, v0  }
0x11b: {  	v1 =	vld [tilespmem:s16+$0x4030];
	v6 =	vsub.f32 $1.000000000e+00, v2  }
0x11c: {  	v0 =	vld [tilespmem:s16+$0x4000];
	v3 =	vsub.f32 $1.000000000e+00, v3;
	[tilespmem:s15+$0x40B0] =	vst v5  }
0x11d: {  	s18 =	simm.s32 $0x100;
	v2 =	vld [tilespmem:s16+$0x4010];
	v4 =	vsub.f32 $1.000000000e+00, v4;
	[tilespmem:s15+$0x4080] =	vst v6  }
.LBB2_2:
0x11e: {  	s19 =	sand.u32 $0x1F00, s18;
	v5 =	vld [tilespmem:s16+$0x4020];
	s17 =	sadd.s32 $0x40, s17;
	[tilespmem:s15+$0x4090] =	vst v3;
	p0 =	sne.s32 s18, $0x1F80  }
.Ltmp0:
0x11f: {  	s18 =	sadd.s32 $0x80, s18;
	s20 =	sand.u32 $0x40, s17;
	[tilespmem:s15+$0x40A0] =	vst v4;
	(pc) =	sbr.rel @p0 .LBB2_2-.Ltmp0, $4  }
0x120: {  	s15 =	smov.u32 s16;
	v4 =	vsub.f32 $1.000000000e+00, v1;
	s16 =	sor.u32 s20, s19  }
0x121: {  	v1 =	vld [tilespmem:s16+$0x4030];
	v6 =	vsub.f32 $1.000000000e+00, v0  }
0x122: {  	v0 =	vld [tilespmem:s16+$0x4000];
	v3 =	vsub.f32 $1.000000000e+00, v2;
	[tilespmem:s15+$0x40B0] =	vst v4  }
0x123: {  	v2 =	vld [tilespmem:s16+$0x4010];
	[tilespmem:s15+$0x4080] =	vst v6;
	v4 =	vsub.f32 $1.000000000e+00, v5  }
0x124: {  	v5 =	vld [tilespmem:s16+$0x4020];
	_ =	sdelay $0x1  }
0x125: {  	[tilespmem:s15+$0x4090] =	vst v3;
	v1 =	vsub.f32 $1.000000000e+00, v1  }
0x126: {  	[tilespmem:s15+$0x40A0] =	vst v4;
	v0 =	vsub.f32 $1.000000000e+00, v0  }
0x127: {  	v2 =	vsub.f32 $1.000000000e+00, v2;
	[tilespmem:s16+$0x40B0] =	vst v1  }
0x128: {  	[tilespmem:s16+$0x4080] =	vst v0;
	v0 =	vsub.f32 $1.000000000e+00, v5  }
0x129: {  	[tilespmem:s16+$0x4090] =	vst v2  }
0x12a: {  	[tilespmem:s16+$0x40A0] =	vst v0  }
0x12b: {  	s18 =	simm.s32 $0x2000;
	s19 =	simm.s32 $0x1000;
	_ =	swait.ge [sflag:s11], $0x1000  }
0x12c: {  	s15 =	sand.u32 $0x3F00, s18;
	s16 =	sand.u32 $0x40, s19;
	[sflag:s11] =	ssyncset.done $0x0  }
0x12d: {  	s15 =	sor.u32 s16, s15;
	[sflag:s11] =	ssyncadd.s32 $0xFFFFF000  }
0x12e: {  	v0 =	vld [tilespmem:s15+$0x4030]  }
0x12f: {  	v2 =	vld [tilespmem:s15+$0x4000]  }
0x130: {  	v3 =	vld [tilespmem:s15+$0x4010]  }
0x131: {  	s20 =	simm.s32 $0x2080;
	s17 =	simm.s32 $0x1040;
	v4 =	vld [tilespmem:s15+$0x4020]  }
0x132: {  	s18 =	sand.u32 $0x40, s17;
	s16 =	sand.u32 $0x3F00, s20  }
0x133: {  	s16 =	sor.u32 s18, s16;
	v5 =	vsub.f32 $1.000000000e+00, v0  }
0x134: {  	v1 =	vld [tilespmem:s16+$0x4030];
	v6 =	vsub.f32 $1.000000000e+00, v2  }
0x135: {  	v0 =	vld [tilespmem:s16+$0x4000];
	v3 =	vsub.f32 $1.000000000e+00, v3;
	[tilespmem:s15+$0x40B0] =	vst v5  }
0x136: {  	s18 =	simm.s32 $0x2100;
	v2 =	vld [tilespmem:s16+$0x4010];
	v4 =	vsub.f32 $1.000000000e+00, v4;
	[tilespmem:s15+$0x4080] =	vst v6  }
.LBB2_4:
0x137: {  	s19 =	sand.u32 $0x3F00, s18;
	v5 =	vld [tilespmem:s16+$0x4020];
	s17 =	sadd.s32 $0x40, s17;
	[tilespmem:s15+$0x4090] =	vst v3;
	p0 =	sne.s32 s18, $0x3F80  }
.Ltmp1:
0x138: {  	s18 =	sadd.s32 $0x80, s18;
	s20 =	sand.u32 $0x40, s17;
	[tilespmem:s15+$0x40A0] =	vst v4;
	(pc) =	sbr.rel @p0 .LBB2_4-.Ltmp1, $4  }
0x139: {  	s15 =	smov.u32 s16;
	v4 =	vsub.f32 $1.000000000e+00, v1;
	s16 =	sor.u32 s20, s19  }
0x13a: {  	v1 =	vld [tilespmem:s16+$0x4030];
	v6 =	vsub.f32 $1.000000000e+00, v0  }
0x13b: {  	v0 =	vld [tilespmem:s16+$0x4000];
	v3 =	vsub.f32 $1.000000000e+00, v2;
	[tilespmem:s15+$0x40B0] =	vst v4  }
0x13c: {  	v2 =	vld [tilespmem:s16+$0x4010];
	[tilespmem:s15+$0x4080] =	vst v6;
	v4 =	vsub.f32 $1.000000000e+00, v5  }
0x13d: {  	v5 =	vld [tilespmem:s16+$0x4020];
	_ =	sdelay $0x1  }
0x13e: {  	[tilespmem:s15+$0x4090] =	vst v3;
	v1 =	vsub.f32 $1.000000000e+00, v1  }
0x13f: {  	[tilespmem:s15+$0x40A0] =	vst v4;
	v0 =	vsub.f32 $1.000000000e+00, v0  }
0x140: {  	v2 =	vsub.f32 $1.000000000e+00, v2;
	[tilespmem:s16+$0x40B0] =	vst v1  }
0x141: {  	[tilespmem:s16+$0x4080] =	vst v0;
	v0 =	vsub.f32 $1.000000000e+00, v5  }
0x142: {  	[tilespmem:s16+$0x4090] =	vst v2  }
0x143: {  	[tilespmem:s16+$0x40A0] =	vst v0  }
0x144: {  	s18 =	simm.s32 $0x4000;
	s19 =	simm.s32 $0x2000;
	_ =	swait.ge [sflag:s12], $0x1000  }
0x145: {  	s15 =	sand.u32 $0x7F00, s18;
	s16 =	sand.u32 $0x40, s19;
	[sflag:s12] =	ssyncset.done $0x0  }
0x146: {  	s15 =	sor.u32 s16, s15;
	[sflag:s12] =	ssyncadd.s32 $0xFFFFF000  }
0x147: {  	v0 =	vld [tilespmem:s15+$0x4030]  }
0x148: {  	v2 =	vld [tilespmem:s15+$0x4000]  }
0x149: {  	v3 =	vld [tilespmem:s15+$0x4010]  }
0x14a: {  	s20 =	simm.s32 $0x4080;
	s17 =	simm.s32 $0x2040;
	v4 =	vld [tilespmem:s15+$0x4020]  }
0x14b: {  	s18 =	sand.u32 $0x40, s17;
	s16 =	sand.u32 $0x7F00, s20  }
0x14c: {  	s16 =	sor.u32 s18, s16;
	v5 =	vsub.f32 $1.000000000e+00, v0  }
0x14d: {  	v1 =	vld [tilespmem:s16+$0x4030];
	v6 =	vsub.f32 $1.000000000e+00, v2  }
0x14e: {  	v0 =	vld [tilespmem:s16+$0x4000];
	v3 =	vsub.f32 $1.000000000e+00, v3;
	[tilespmem:s15+$0x40B0] =	vst v5  }
0x14f: {  	s18 =	simm.s32 $0x4100;
	v2 =	vld [tilespmem:s16+$0x4010];
	v4 =	vsub.f32 $1.000000000e+00, v4;
	[tilespmem:s15+$0x4080] =	vst v6  }
.LBB2_6:
0x150: {  	s19 =	sand.u32 $0x7F00, s18;
	v5 =	vld [tilespmem:s16+$0x4020];
	s17 =	sadd.s32 $0x40, s17;
	[tilespmem:s15+$0x4090] =	vst v3;
	p0 =	sne.s32 s18, $0x5F80  }
.Ltmp2:
0x151: {  	s18 =	sadd.s32 $0x80, s18;
	s20 =	sand.u32 $0x40, s17;
	[tilespmem:s15+$0x40A0] =	vst v4;
	(pc) =	sbr.rel @p0 .LBB2_6-.Ltmp2, $4  }
0x152: {  	s15 =	smov.u32 s16;
	v4 =	vsub.f32 $1.000000000e+00, v1;
	s16 =	sor.u32 s20, s19  }
0x153: {  	v1 =	vld [tilespmem:s16+$0x4030];
	v6 =	vsub.f32 $1.000000000e+00, v0  }
0x154: {  	v0 =	vld [tilespmem:s16+$0x4000];
	v3 =	vsub.f32 $1.000000000e+00, v2;
	[tilespmem:s15+$0x40B0] =	vst v4  }
0x155: {  	v2 =	vld [tilespmem:s16+$0x4010];
	[tilespmem:s15+$0x4080] =	vst v6;
	v4 =	vsub.f32 $1.000000000e+00, v5  }
0x156: {  	v5 =	vld [tilespmem:s16+$0x4020];
	_ =	sdelay $0x1  }
0x157: {  	[tilespmem:s15+$0x4090] =	vst v3;
	v1 =	vsub.f32 $1.000000000e+00, v1  }
0x158: {  	[tilespmem:s15+$0x40A0] =	vst v4;
	v0 =	vsub.f32 $1.000000000e+00, v0  }
0x159: {  	v2 =	vsub.f32 $1.000000000e+00, v2;
	[tilespmem:s16+$0x40B0] =	vst v1  }
0x15a: {  	[tilespmem:s16+$0x4080] =	vst v0;
	v0 =	vsub.f32 $1.000000000e+00, v5  }
0x15b: {  	[tilespmem:s16+$0x4090] =	vst v2  }
0x15c: {  	[tilespmem:s16+$0x40A0] =	vst v0  }
0x15d: {  	s18 =	simm.s32 $0x6000;
	s19 =	simm.s32 $0x3000;
	_ =	swait.ge [sflag:s13], $0x1000  }
0x15e: {  	s15 =	sand.u32 $0x7F00, s18;
	s16 =	sand.u32 $0x40, s19;
	[sflag:s13] =	ssyncset.done $0x0  }
0x15f: {  	s15 =	sor.u32 s16, s15;
	[sflag:s13] =	ssyncadd.s32 $0xFFFFF000  }
0x160: {  	v0 =	vld [tilespmem:s15+$0x4030]  }
0x161: {  	v2 =	vld [tilespmem:s15+$0x4000]  }
0x162: {  	v3 =	vld [tilespmem:s15+$0x4010]  }
0x163: {  	s20 =	simm.s32 $0x6080;
	s17 =	simm.s32 $0x3040;
	v4 =	vld [tilespmem:s15+$0x4020]  }
0x164: {  	s18 =	sand.u32 $0x40, s17;
	s16 =	sand.u32 $0x7F00, s20  }
0x165: {  	s16 =	sor.u32 s18, s16;
	v5 =	vsub.f32 $1.000000000e+00, v0  }
0x166: {  	v1 =	vld [tilespmem:s16+$0x4030];
	v6 =	vsub.f32 $1.000000000e+00, v2  }
0x167: {  	v0 =	vld [tilespmem:s16+$0x4000];
	v3 =	vsub.f32 $1.000000000e+00, v3;
	[tilespmem:s15+$0x40B0] =	vst v5  }
0x168: {  	s18 =	simm.s32 $0x6100;
	v2 =	vld [tilespmem:s16+$0x4010];
	v4 =	vsub.f32 $1.000000000e+00, v4;
	[tilespmem:s15+$0x4080] =	vst v6  }
.LBB2_8:
0x169: {  	s19 =	sand.u32 $0x7F00, s18;
	v5 =	vld [tilespmem:s16+$0x4020];
	s17 =	sadd.s32 $0x40, s17;
	[tilespmem:s15+$0x4090] =	vst v3;
	p0 =	sne.s32 s18, $0x7F80  }
.Ltmp3:
0x16a: {  	s18 =	sadd.s32 $0x80, s18;
	s20 =	sand.u32 $0x40, s17;
	[tilespmem:s15+$0x40A0] =	vst v4;
	(pc) =	sbr.rel @p0 .LBB2_8-.Ltmp3, $4  }
0x16b: {  	s15 =	smov.u32 s16;
	v4 =	vsub.f32 $1.000000000e+00, v1;
	s16 =	sor.u32 s20, s19  }
0x16c: {  	v1 =	vld [tilespmem:s16+$0x4030];
	v6 =	vsub.f32 $1.000000000e+00, v0  }
0x16d: {  	v0 =	vld [tilespmem:s16+$0x4000];
	v3 =	vsub.f32 $1.000000000e+00, v2;
	[tilespmem:s15+$0x40B0] =	vst v4  }
0x16e: {  	v2 =	vld [tilespmem:s16+$0x4010];
	[tilespmem:s15+$0x4080] =	vst v6;
	v4 =	vsub.f32 $1.000000000e+00, v5  }
0x16f: {  	v5 =	vld [tilespmem:s16+$0x4020];
	_ =	sdelay $0x1  }
0x170: {  	[tilespmem:s15+$0x4090] =	vst v3;
	v1 =	vsub.f32 $1.000000000e+00, v1  }
0x171: {  	[tilespmem:s15+$0x40A0] =	vst v4;
	v0 =	vsub.f32 $1.000000000e+00, v0  }
0x172: {  	v2 =	vsub.f32 $1.000000000e+00, v2;
	[tilespmem:s16+$0x40B0] =	vst v1  }
0x173: {  	s14 =	sadd.s32 $0x1, s14;
	[tilespmem:s16+$0x4080] =	vst v0;
	v63 =	vsub.f32 $1.000000000e+00, v5  }
0x174: {  	p0 =	sne.s32 s14, s6;
	[tilespmem:s16+$0x4090] =	vst v2  }
.Ltmp4:
0x175: {  	[tilespmem:s16+$0x40A0] =	vst v63;
	(pc) =	sbr.rel @p0 .LBB2_1-.Ltmp4, $4  }
0x176: {  	[hbm4b:s5+s2] =	stream.linear.scatter [tilespmem:s9], [sflag:$0x5], $0x8000, $0x38;
	[tilespmem:$0xC000] =	vst v63  }
0x177: {  	_ =	swait.ge [sflag:s7], $0x8000  }
0x178: {  	[sflag:s7] =	ssyncset.done $0x0  }
0x179: {  	[sflag:s7] =	ssyncadd.s32 $0xFFFF8000  }
0x17a: {  	_ =	sfence.sel $0x180000  }
0x17b: {  	[bflag:$0x0] =	sbarrier.arrive $0xFFFF  }
0x17c: {  	_ =	strace $0x90000047  }
0x17d: {  	s0 =	stileid.u32;
	[bflag:$0x2] =	sbarrier.arrive $0xFFFF  }
0x17e: {  	p0 =	sne.s32 s0, $0x0;
	s0 =	rddreg [dreg:$0x2]  }
0x17f: {  	s0 =	sadd.s32 @!p0 $0x100000, s0  }
0x180: {  	[sflag:s0] =	ssyncadd.tile.s32 @!p0 $0x1;
	_ =	shalt  }
.Lfunc_end2:
_tile_overlayer_lowered:
.L_overlay_start_2:
0x181: {  	(tag) =	ssettag $0x2  }
0x182: {  	s0 =	rddreg [dreg:$0x0];
	s2 =	stileid.u32  }
0x183: {  	s1 =	rddreg [dreg:$0x1];
	p0 =	sne.s32 s2, $0x0  }
0x184: {  	s3 =	rddreg [dreg:$0x2];
	[bflag:$0x3] =	sbarrier.arrive $0xFFFF;
	s2 =	simm.s32 @!p0 $0x1C05  }
0x185: {  	[timem:s3], [sflag:s2] =	dma.local @!p0 [hbm:s0], s1  }
0x186: {  	s0 =	simm.s32 @!p0 $0x5  }
0x187: {  	_ =	swait.ge @!p0 [sflag:s0], s1  }
0x188: {  	s1 =	ssub.s32 @!p0 $0x0, s1;
	[sflag:s0] =	ssyncset.done @!p0 $0x0  }
0x189: {  	[sflag:s0] =	ssyncadd.s32 @!p0 s1  }
0x18a: {  	[bflag:$0x3] =	sbarrier.arrive $0xFFFF  }
0x18b: {  	_ =	shalt  }

</sc_bundles>
